<compile_context>
chip_gen: v7x
topology: tpu7x:2x2x1
jax: 0.10.2.dev20260603
libtpu: 0.0.44.dev20260713+nightly
codegen_flags: <defaults>
</compile_context>

<pallas_src>
import functools

import jax
import jax.numpy as jnp
from jax import lax
from jax.experimental import pallas as pl
from jax.experimental.pallas import tpu as pltpu
from jax.experimental.pallas import tpu_sc as plsc

D_MODEL = 768
HID = 4 * D_MODEL
N_EXP = 64
CAP = 64
TOKENS = 4096


N_HALF = 2
HID_BLK = HID // N_HALF


_LANES = 16
_NCHUNK = TOKENS // _LANES
_LIST = 96


def _dispatch_body(ix_hbm, sel_hbm, ix_v, list0_v, list1_v):
    cid = lax.axis_index("c")
    sid = lax.axis_index("s")
    wid = sid * 2 + cid
    pltpu.sync_copy(ix_hbm, ix_v)
    neg1 = jnp.full((_LANES,), -1, jnp.int32)
    for j in range(_LIST // _LANES):
        list0_v[pl.ds(j * _LANES, _LANES)] = neg1
        list1_v[pl.ds(j * _LANES, _LANES)] = neg1
    lane = lax.iota(jnp.int32, _LANES)

    gdn = lax.GatherDimensionNumbers(
        offset_dims=(), collapsed_slice_dims=(0,), start_index_map=(0,))

    def _lane_gather(x, src):
        return lax.gather(x, src[:, None], gdn, slice_sizes=(1,),
                          mode=lax.GatherScatterMode.PROMISE_IN_BOUNDS)

    def _prefix_incl(m):
        pref = m
        for sh in (1, 2, 4, 8):
            src = jnp.maximum(lane - sh, 0)
            keep = jnp.minimum(1, jnp.maximum(lane - sh + 1, 0))
            pref = pref + _lane_gather(pref, src) * keep
        return pref

    e0 = wid * 2
    e1 = wid * 2 + 1

    def body(i, carry):
        c0, c1 = carry
        v = ix_v[pl.ds(i * _LANES, _LANES)]
        tok = lane + i * _LANES
        m0 = jnp.maximum(0, 1 - jnp.abs(v - e0))
        m1 = jnp.maximum(0, 1 - jnp.abs(v - e1))
        pref01 = _prefix_incl(m0 + m1 * 65536)
        pref0 = jnp.bitwise_and(pref01, 65535)
        pref1 = lax.shift_right_logical(pref01, 16)
        pos0 = c0 + pref0 - m0
        pos1 = c1 + pref1 - m1
        idx0 = jnp.minimum(pos0, _LIST - 2) * m0 + (_LIST - 1) * (1 - m0)
        idx1 = jnp.minimum(pos1, _LIST - 2) * m1 + (_LIST - 1) * (1 - m1)
        plsc.store_scatter(list0_v, [idx0], tok)
        plsc.store_scatter(list1_v, [idx1], tok)
        return (c0 + pref0[_LANES - 1], c1 + pref1[_LANES - 1])

    lax.fori_loop(0, _NCHUNK, body, (jnp.int32(0), jnp.int32(0)),
                  unroll=8)
    pltpu.sync_copy(list0_v.at[pl.ds(0, CAP)],
                    sel_hbm.at[pl.ds(wid * 2 * CAP, CAP)])
    pltpu.sync_copy(list1_v.at[pl.ds(0, CAP)],
                    sel_hbm.at[pl.ds((wid * 2 + 1) * CAP, CAP)])


_dispatch_sc = functools.partial(
    pl.kernel,
    mesh=plsc.VectorSubcoreMesh(core_axis_name="c", subcore_axis_name="s"),
    compiler_params=pltpu.CompilerParams(needs_layout_passes=False),
    out_type=jax.ShapeDtypeStruct((N_EXP * CAP,), jnp.int32),
    scratch_types=[
        pltpu.VMEM((TOKENS,), jnp.int32),
        pltpu.VMEM((_LIST,), jnp.int32),
        pltpu.VMEM((_LIST,), jnp.int32),
    ],
)(_dispatch_body)


def _ffn_body(sel_ref, x_ref, w1_ref, b1_ref, w2_ref, b2_ref, out_ref,
              h_scr, y_scr):
    e = pl.program_id(0)

    @pl.when(e == 0)
    def _zero():
        out_ref[...] = jnp.zeros_like(out_ref)

    def gather_body(c, carry):
        tok = jnp.maximum(sel_ref[0, 0, c], 0)
        h_scr[pl.ds(c, 1), :] = x_ref[pl.ds(tok, 1), :]
        return carry

    jax.lax.fori_loop(0, CAP, gather_body, 0, unroll=16)

    h = h_scr[...].astype(jnp.bfloat16)
    hid = jnp.dot(h, w1_ref[0].astype(jnp.bfloat16),
                  preferred_element_type=jnp.float32)
    hid = jnp.maximum(hid + b1_ref[0], 0.0).astype(jnp.bfloat16)
    y = jnp.dot(hid, w2_ref[0].astype(jnp.bfloat16),
                preferred_element_type=jnp.float32)
    y_scr[...] = y + b2_ref[0]

    def scatter_body(c, carry):
        tok = sel_ref[0, 0, c]

        @pl.when(tok >= 0)
        def _():
            out_ref[pl.ds(tok, 1), :] = y_scr[pl.ds(c, 1), :]

        return carry

    jax.lax.fori_loop(0, CAP, scatter_body, 0, unroll=16)


def _ffn_call(sel, xf, W1, b1, W2, b2):
    return pl.pallas_call(
        _ffn_body,
        grid=(N_EXP,),
        in_specs=[
            pl.BlockSpec((1, 1, CAP), lambda e: (e, 0, 0),
                         memory_space=pltpu.SMEM),
            pl.BlockSpec((TOKENS, D_MODEL), lambda e: (0, 0)),
            pl.BlockSpec((1, D_MODEL, HID), lambda e: (e, 0, 0)),
            pl.BlockSpec((1, 1, HID), lambda e: (e, 0, 0)),
            pl.BlockSpec((1, HID, D_MODEL), lambda e: (e, 0, 0)),
            pl.BlockSpec((1, 1, D_MODEL), lambda e: (e, 0, 0)),
        ],
        out_specs=pl.BlockSpec((TOKENS, D_MODEL), lambda e: (0, 0)),
        out_shape=jax.ShapeDtypeStruct((TOKENS, D_MODEL), jnp.float32),
        scratch_shapes=[
            pltpu.VMEM((CAP, D_MODEL), jnp.float32),
            pltpu.VMEM((CAP, D_MODEL), jnp.float32),
        ],
        compiler_params=pltpu.CompilerParams(
            dimension_semantics=("arbitrary",),
            vmem_limit_bytes=100 * 1024 * 1024,
        ),
    )(sel, xf, W1, b1, W2, b2)


def kernel(x, noise, Wl, bl, Wn, bn, W1, b1, W2, b2):
    Bsz, Tlen, d = x.shape
    xf = x.reshape(-1, d)

    Wcat = jnp.concatenate([Wl, Wn], axis=1)
    z = x @ Wcat
    logits = z[..., :N_EXP] + bl
    scale = jax.nn.softplus(z[..., N_EXP:] + bn)
    noisy = (logits + noise * scale).reshape(-1, N_EXP)
    ix = jnp.argmax(noisy, axis=-1).astype(jnp.int32)

    sel = _dispatch_sc(ix).reshape(N_EXP, 1, CAP)

    y = _ffn_call(sel, xf, W1, b1.reshape(N_EXP, 1, HID), W2,
                  b2.reshape(N_EXP, 1, D_MODEL))
    return y.reshape(Bsz, Tlen, d)

# --- scband reference (transcript-rebuilt; emitter-appended) ---
"""Pipeline reference for scband-sparse-mo-e-20426864459936 (READ-ONLY COPY).

The authoritative reference and input builder live on the scoring server;
editing this copy changes nothing except your own understanding.
"""

import jax, jax.numpy as jnp
import numpy as np

D_MODEL = 768
N_EXP = 64
TOP_K = 1
CAP_FACTOR = 1.0
B = 2
T = 2048
NEG_INF = -1e9


def setup_inputs(seed: int = 0) -> dict:
    key = jax.random.key(seed)
    ks = jax.random.split(key, 10)
    s1 = 1.0 / np.sqrt(D_MODEL)
    s2 = 1.0 / np.sqrt(4 * D_MODEL)
    inp = {}
    inp["x"] = jax.random.normal(ks[0], (B, T, D_MODEL), jnp.float32)
    # noise tensor materialized explicitly (torch uses randn_like inside forward)
    inp["noise"] = jax.random.normal(ks[1], (B, T, N_EXP), jnp.float32)
    # router params
    inp["Wl"] = jax.random.uniform(ks[2], (D_MODEL, N_EXP), jnp.float32, -s1, s1)
    inp["bl"] = jax.random.uniform(ks[3], (N_EXP,), jnp.float32, -s1, s1)
    inp["Wn"] = jax.random.uniform(ks[4], (D_MODEL, N_EXP), jnp.float32, -s1, s1)
    inp["bn"] = jax.random.uniform(ks[5], (N_EXP,), jnp.float32, -s1, s1)
    # stacked expert params: Linear(d, 4d) -> ReLU -> Linear(4d, d)
    inp["W1"] = jax.random.uniform(ks[6], (N_EXP, D_MODEL, 4 * D_MODEL), jnp.float32, -s1, s1)
    inp["b1"] = jax.random.uniform(ks[7], (N_EXP, 4 * D_MODEL), jnp.float32, -s1, s1)
    inp["W2"] = jax.random.uniform(ks[8], (N_EXP, 4 * D_MODEL, D_MODEL), jnp.float32, -s2, s2)
    inp["b2"] = jax.random.uniform(ks[9], (N_EXP, D_MODEL), jnp.float32, -s2, s2)
    return inp


def reference(x, noise, Wl, bl, Wn, bn, W1, b1, W2, b2):
    Bsz, Tlen, d = x.shape
    # NoisyTopkRouter
    logits = x @ Wl + bl
    scale = jax.nn.softplus(x @ Wn + bn)
    noisy = logits + noise * scale
    topk_vals, ix = jax.lax.top_k(noisy, TOP_K)
    b_idx = jnp.arange(Bsz)[:, None, None]
    t_idx = jnp.arange(Tlen)[None, :, None]
    sparse = jnp.full_like(noisy, NEG_INF).at[b_idx, t_idx, ix].set(topk_vals)
    route_p = jax.nn.softmax(sparse, axis=-1)
    # SparseMoE dispatch with capacity
    flat_x = x.reshape(-1, d)
    flat_p = route_p.reshape(-1, N_EXP)
    flat_ix = ix.reshape(-1, TOP_K)
    cap = int(Bsz * Tlen * TOP_K / N_EXP * CAP_FACTOR)

    def body(updates, xs):
        i, W1i, b1i, W2i, b2i = xs
        mask = (flat_ix == i).any(axis=-1)
        sel = jnp.nonzero(mask, size=cap, fill_value=-1)[0]
        valid = sel >= 0
        sel_safe = jnp.where(valid, sel, 0)
        h = flat_x[sel_safe]
        out = jnp.maximum(h @ W1i + b1i, 0.0) @ W2i + b2i
        gate = flat_p[sel_safe, i][:, None]
        contrib = out * gate * valid[:, None].astype(out.dtype)
        return updates.at[sel_safe].add(contrib), None

    updates = jnp.zeros_like(flat_x)
    updates, _ = jax.lax.scan(body, updates, (jnp.arange(N_EXP), W1, b1, W2, b2))
    y = updates.reshape(Bsz, Tlen, d)
    return y

if __name__ == "__main__":
    import jax
    _d = setup_inputs()
    print(jax.jit(kernel)(*tuple(_d.values())))

</pallas_src>

<mosaic_0001>
#map = affine_map<(d0, d1) -> (0)>
module attributes {stable_mosaic.version = 14 : i64} {
  func.func @_dispatch_body(%arg0: i32, %arg1: i32, %arg2: memref<4096xi32, #tpu.memory_space<hbm>>, %arg3: memref<4096xi32, #tpu.memory_space<hbm>>, %arg4: memref<4096xi32, #tpu.memory_space<vmem>>, %arg5: memref<96xi32, #tpu.memory_space<vmem>>, %arg6: memref<96xi32, #tpu.memory_space<vmem>>) attributes {dimension_semantics = [#tpu.dimension_semantics<core_parallel>, #tpu.dimension_semantics<subcore_parallel>], iteration_bounds = array<i64: 2, 16>, scalar_prefetch = 0 : i64, scratch_operands = 3 : i64, tpu.core_type = #tpu.core_type<sc_vector_subcore>, window_params = [{transform_indices = #map}, {transform_indices = #map}]} {
    %mul3A = arith.constant 2 : i32
    %mul3A_0 = arith.muli %arg1, %mul3A : i32
    %add3A = arith.addi %mul3A_0, %arg0 : i32
    "tpu.region"() ({
      %run_scoped3A = tpu.sem_alloc : memref<!tpu.dma_semaphore, #tpu.memory_space<semaphore_mem>>
      tpu.enqueue_dma source(%arg2 : memref<4096xi32, #tpu.memory_space<hbm>>) target(%arg4 : memref<4096xi32, #tpu.memory_space<vmem>>) target_semaphore(%run_scoped3A : memref<!tpu.dma_semaphore, #tpu.memory_space<semaphore_mem>>)
      tpu.wait_dma2 semaphore(%run_scoped3A : memref<!tpu.dma_semaphore, #tpu.memory_space<semaphore_mem>>) src(%arg2 : memref<4096xi32, #tpu.memory_space<hbm>>) dst(%arg4 : memref<4096xi32, #tpu.memory_space<vmem>>)
      tpu.yield
    }) : () -> ()
    %broadcast_in_dim3A = arith.constant -1 : i32
    %broadcast_in_dim3A_1 = vector.broadcast %broadcast_in_dim3A : i32 to vector<16xi32>
    %swap3A = arith.constant 0 : index
    %swap3A_2 = tpu.vector_load %arg5[%swap3A] {strides = array<i32>} : memref<96xi32, #tpu.memory_space<vmem>>, vector<16xi32>,
    tpu.vector_store %arg5[%swap3A], %broadcast_in_dim3A_1 {strides = array<i32>} : memref<96xi32, #tpu.memory_space<vmem>>, vector<16xi32>,
    %swap3A_3 = arith.constant 0 : index
    %swap3A_4 = tpu.vector_load %arg6[%swap3A_3] {strides = array<i32>} : memref<96xi32, #tpu.memory_space<vmem>>, vector<16xi32>,
    tpu.vector_store %arg6[%swap3A_3], %broadcast_in_dim3A_1 {strides = array<i32>} : memref<96xi32, #tpu.memory_space<vmem>>, vector<16xi32>,
    %swap3A_5 = arith.constant 16 : index
    %swap3A_6 = tpu.vector_load %arg5[%swap3A_5] {strides = array<i32>} : memref<96xi32, #tpu.memory_space<vmem>>, vector<16xi32>,
    tpu.vector_store %arg5[%swap3A_5], %broadcast_in_dim3A_1 {strides = array<i32>} : memref<96xi32, #tpu.memory_space<vmem>>, vector<16xi32>,
    %swap3A_7 = arith.constant 16 : index
    %swap3A_8 = tpu.vector_load %arg6[%swap3A_7] {strides = array<i32>} : memref<96xi32, #tpu.memory_space<vmem>>, vector<16xi32>,
    tpu.vector_store %arg6[%swap3A_7], %broadcast_in_dim3A_1 {strides = array<i32>} : memref<96xi32, #tpu.memory_space<vmem>>, vector<16xi32>,
    %swap3A_9 = arith.constant 32 : index
    %swap3A_10 = tpu.vector_load %arg5[%swap3A_9] {strides = array<i32>} : memref<96xi32, #tpu.memory_space<vmem>>, vector<16xi32>,
    tpu.vector_store %arg5[%swap3A_9], %broadcast_in_dim3A_1 {strides = array<i32>} : memref<96xi32, #tpu.memory_space<vmem>>, vector<16xi32>,
    %swap3A_11 = arith.constant 32 : index
    %swap3A_12 = tpu.vector_load %arg6[%swap3A_11] {strides = array<i32>} : memref<96xi32, #tpu.memory_space<vmem>>, vector<16xi32>,
    tpu.vector_store %arg6[%swap3A_11], %broadcast_in_dim3A_1 {strides = array<i32>} : memref<96xi32, #tpu.memory_space<vmem>>, vector<16xi32>,
    %swap3A_13 = arith.constant 48 : index
    %swap3A_14 = tpu.vector_load %arg5[%swap3A_13] {strides = array<i32>} : memref<96xi32, #tpu.memory_space<vmem>>, vector<16xi32>,
    tpu.vector_store %arg5[%swap3A_13], %broadcast_in_dim3A_1 {strides = array<i32>} : memref<96xi32, #tpu.memory_space<vmem>>, vector<16xi32>,
    %swap3A_15 = arith.constant 48 : index
    %swap3A_16 = tpu.vector_load %arg6[%swap3A_15] {strides = array<i32>} : memref<96xi32, #tpu.memory_space<vmem>>, vector<16xi32>,
    tpu.vector_store %arg6[%swap3A_15], %broadcast_in_dim3A_1 {strides = array<i32>} : memref<96xi32, #tpu.memory_space<vmem>>, vector<16xi32>,
    %swap3A_17 = arith.constant 64 : index
    %swap3A_18 = tpu.vector_load %arg5[%swap3A_17] {strides = array<i32>} : memref<96xi32, #tpu.memory_space<vmem>>, vector<16xi32>,
    tpu.vector_store %arg5[%swap3A_17], %broadcast_in_dim3A_1 {strides = array<i32>} : memref<96xi32, #tpu.memory_space<vmem>>, vector<16xi32>,
    %swap3A_19 = arith.constant 64 : index
    %swap3A_20 = tpu.vector_load %arg6[%swap3A_19] {strides = array<i32>} : memref<96xi32, #tpu.memory_space<vmem>>, vector<16xi32>,
    tpu.vector_store %arg6[%swap3A_19], %broadcast_in_dim3A_1 {strides = array<i32>} : memref<96xi32, #tpu.memory_space<vmem>>, vector<16xi32>,
    %swap3A_21 = arith.constant 80 : index
    %swap3A_22 = tpu.vector_load %arg5[%swap3A_21] {strides = array<i32>} : memref<96xi32, #tpu.memory_space<vmem>>, vector<16xi32>,
    tpu.vector_store %arg5[%swap3A_21], %broadcast_in_dim3A_1 {strides = array<i32>} : memref<96xi32, #tpu.memory_space<vmem>>, vector<16xi32>,
    %swap3A_23 = arith.constant 80 : index
    %swap3A_24 = tpu.vector_load %arg6[%swap3A_23] {strides = array<i32>} : memref<96xi32, #tpu.memory_space<vmem>>, vector<16xi32>,
    tpu.vector_store %arg6[%swap3A_23], %broadcast_in_dim3A_1 {strides = array<i32>} : memref<96xi32, #tpu.memory_space<vmem>>, vector<16xi32>,
    %iota3A = tpu.iota {dimensions = array<i32: 0>} : vector<16xi32>
    %mul3A_25 = arith.constant 2 : i32
    %mul3A_26 = arith.muli %add3A, %mul3A_25 : i32
    %mul3A_27 = arith.constant 2 : i32
    %mul3A_28 = arith.muli %add3A, %mul3A_27 : i32
    %add3A_29 = arith.constant 1 : i32
    %add3A_30 = arith.addi %mul3A_28, %add3A_29 : i32
    %scan3A = arith.constant 0 : i32
    %scan3A_31 = arith.constant 0 : i32
    %scan3A_32 = arith.constant 0 : i32
    %scan3A_33 = arith.constant 256 : i32
    %scan3A_34 = arith.addi %scan3A_32, %scan3A_33 : i32
    %scan3A_35 = arith.constant 8 : i32
    %scan3A_36:2 = scf.for %scan3A_48 = %scan3A_32 to %scan3A_34 step %scan3A_35 iter_args(%scan3A_49 = %scan3A, %scan3A_50 = %scan3A_31) -> (i32, i32)  : i32 {
      %mul3A_51 = arith.constant 16 : i32
      %mul3A_52 = arith.muli %scan3A_48, %mul3A_51 : i32
      %get3A = arith.index_cast %mul3A_52 : i32 to index
      %get3A_53 = tpu.vector_load %arg4[%get3A] {strides = array<i32>} : memref<4096xi32, #tpu.memory_space<vmem>>, vector<16xi32>,
      %mul3A_54 = arith.constant 16 : i32
      %mul3A_55 = arith.muli %scan3A_48, %mul3A_54 : i32
      %add3A_56 = vector.broadcast %mul3A_55 : i32 to vector<16xi32>
      %add3A_57 = arith.addi %iota3A, %add3A_56 : vector<16xi32>
      %sub3A = vector.broadcast %mul3A_26 : i32 to vector<16xi32>
      %sub3A_58 = arith.subi %get3A_53, %sub3A : vector<16xi32>
      %abs3A = math.absi %sub3A_58 : vector<16xi32>
      %sub3A_59 = arith.constant 1 : i32
      %sub3A_60 = vector.broadcast %sub3A_59 : i32 to vector<16xi32>
      %sub3A_61 = arith.subi %sub3A_60, %abs3A : vector<16xi32>
      %max3A = arith.constant 0 : i32
      %max3A_62 = vector.broadcast %max3A : i32 to vector<16xi32>
      %max3A_63 = arith.maxsi %max3A_62, %sub3A_61 : vector<16xi32>
      %sub3A_64 = vector.broadcast %add3A_30 : i32 to vector<16xi32>
      %sub3A_65 = arith.subi %get3A_53, %sub3A_64 : vector<16xi32>
      %abs3A_66 = math.absi %sub3A_65 : vector<16xi32>
      %sub3A_67 = arith.constant 1 : i32
      %sub3A_68 = vector.broadcast %sub3A_67 : i32 to vector<16xi32>
      %sub3A_69 = arith.subi %sub3A_68, %abs3A_66 : vector<16xi32>
      %max3A_70 = arith.constant 0 : i32
      %max3A_71 = vector.broadcast %max3A_70 : i32 to vector<16xi32>
      %max3A_72 = arith.maxsi %max3A_71, %sub3A_69 : vector<16xi32>
      %mul3A_73 = arith.constant 65536 : i32
      %mul3A_74 = vector.broadcast %mul3A_73 : i32 to vector<16xi32>
      %mul3A_75 = arith.muli %max3A_72, %mul3A_74 : vector<16xi32>
      %add3A_76 = arith.addi %max3A_63, %mul3A_75 : vector<16xi32>
      %sub3A_77 = arith.constant 1 : i32
      %sub3A_78 = vector.broadcast %sub3A_77 : i32 to vector<16xi32>
      %sub3A_79 = arith.subi %iota3A, %sub3A_78 : vector<16xi32>
      %max3A_80 = arith.constant 0 : i32
      %max3A_81 = vector.broadcast %max3A_80 : i32 to vector<16xi32>
      %max3A_82 = arith.maxsi %sub3A_79, %max3A_81 : vector<16xi32>
      %sub3A_83 = arith.constant 1 : i32
      %sub3A_84 = vector.broadcast %sub3A_83 : i32 to vector<16xi32>
      %sub3A_85 = arith.subi %iota3A, %sub3A_84 : vector<16xi32>
      %add3A_86 = arith.constant 1 : i32
      %add3A_87 = vector.broadcast %add3A_86 : i32 to vector<16xi32>
      %add3A_88 = arith.addi %sub3A_85, %add3A_87 : vector<16xi32>
      %max3A_89 = arith.constant 0 : i32
      %max3A_90 = vector.broadcast %max3A_89 : i32 to vector<16xi32>
      %max3A_91 = arith.maxsi %add3A_88, %max3A_90 : vector<16xi32>
      %min3A = arith.constant 1 : i32
      %min3A_92 = vector.broadcast %min3A : i32 to vector<16xi32>
      %min3A_93 = arith.minsi %min3A_92, %max3A_91 : vector<16xi32>
      %broadcast_in_dim3A_94 = vector.shape_cast %max3A_82 : vector<16xi32> to vector<16x1xi32>
      %gather3A = vector.shape_cast %broadcast_in_dim3A_94 : vector<16x1xi32> to vector<16xi32>
      %gather3A_95 = tpu.dynamic_gather %add3A_76[%gather3A] in [0] : vector<16xi32>, vector<16xi32> -> vector<16xi32>
      %mul3A_96 = arith.muli %gather3A_95, %min3A_93 : vector<16xi32>
      %add3A_97 = arith.addi %add3A_76, %mul3A_96 : vector<16xi32>
      %sub3A_98 = arith.constant 2 : i32
      %sub3A_99 = vector.broadcast %sub3A_98 : i32 to vector<16xi32>
      %sub3A_100 = arith.subi %iota3A, %sub3A_99 : vector<16xi32>
      %max3A_101 = arith.constant 0 : i32
      %max3A_102 = vector.broadcast %max3A_101 : i32 to vector<16xi32>
      %max3A_103 = arith.maxsi %sub3A_100, %max3A_102 : vector<16xi32>
      %sub3A_104 = arith.constant 2 : i32
      %sub3A_105 = vector.broadcast %sub3A_104 : i32 to vector<16xi32>
      %sub3A_106 = arith.subi %iota3A, %sub3A_105 : vector<16xi32>
      %add3A_107 = arith.constant 1 : i32
      %add3A_108 = vector.broadcast %add3A_107 : i32 to vector<16xi32>
      %add3A_109 = arith.addi %sub3A_106, %add3A_108 : vector<16xi32>
      %max3A_110 = arith.constant 0 : i32
      %max3A_111 = vector.broadcast %max3A_110 : i32 to vector<16xi32>
      %max3A_112 = arith.maxsi %add3A_109, %max3A_111 : vector<16xi32>
      %min3A_113 = arith.constant 1 : i32
      %min3A_114 = vector.broadcast %min3A_113 : i32 to vector<16xi32>
      %min3A_115 = arith.minsi %min3A_114, %max3A_112 : vector<16xi32>
      %broadcast_in_dim3A_116 = vector.shape_cast %max3A_103 : vector<16xi32> to vector<16x1xi32>
      %gather3A_117 = vector.shape_cast %broadcast_in_dim3A_116 : vector<16x1xi32> to vector<16xi32>
      %gather3A_118 = tpu.dynamic_gather %add3A_97[%gather3A_117] in [0] : vector<16xi32>, vector<16xi32> -> vector<16xi32>
      %mul3A_119 = arith.muli %gather3A_118, %min3A_115 : vector<16xi32>
      %add3A_120 = arith.addi %add3A_97, %mul3A_119 : vector<16xi32>
      %sub3A_121 = arith.constant 4 : i32
      %sub3A_122 = vector.broadcast %sub3A_121 : i32 to vector<16xi32>
      %sub3A_123 = arith.subi %iota3A, %sub3A_122 : vector<16xi32>
      %max3A_124 = arith.constant 0 : i32
      %max3A_125 = vector.broadcast %max3A_124 : i32 to vector<16xi32>
      %max3A_126 = arith.maxsi %sub3A_123, %max3A_125 : vector<16xi32>
      %sub3A_127 = arith.constant 4 : i32
      %sub3A_128 = vector.broadcast %sub3A_127 : i32 to vector<16xi32>
      %sub3A_129 = arith.subi %iota3A, %sub3A_128 : vector<16xi32>
      %add3A_130 = arith.constant 1 : i32
      %add3A_131 = vector.broadcast %add3A_130 : i32 to vector<16xi32>
      %add3A_132 = arith.addi %sub3A_129, %add3A_131 : vector<16xi32>
      %max3A_133 = arith.constant 0 : i32
      %max3A_134 = vector.broadcast %max3A_133 : i32 to vector<16xi32>
      %max3A_135 = arith.maxsi %add3A_132, %max3A_134 : vector<16xi32>
      %min3A_136 = arith.constant 1 : i32
      %min3A_137 = vector.broadcast %min3A_136 : i32 to vector<16xi32>
      %min3A_138 = arith.minsi %min3A_137, %max3A_135 : vector<16xi32>
      %broadcast_in_dim3A_139 = vector.shape_cast %max3A_126 : vector<16xi32> to vector<16x1xi32>
      %gather3A_140 = vector.shape_cast %broadcast_in_dim3A_139 : vector<16x1xi32> to vector<16xi32>
      %gather3A_141 = tpu.dynamic_gather %add3A_120[%gather3A_140] in [0] : vector<16xi32>, vector<16xi32> -> vector<16xi32>
      %mul3A_142 = arith.muli %gather3A_141, %min3A_138 : vector<16xi32>
      %add3A_143 = arith.addi %add3A_120, %mul3A_142 : vector<16xi32>
      %sub3A_144 = arith.constant 8 : i32
      %sub3A_145 = vector.broadcast %sub3A_144 : i32 to vector<16xi32>
      %sub3A_146 = arith.subi %iota3A, %sub3A_145 : vector<16xi32>
      %max3A_147 = arith.constant 0 : i32
      %max3A_148 = vector.broadcast %max3A_147 : i32 to vector<16xi32>
      %max3A_149 = arith.maxsi %sub3A_146, %max3A_148 : vector<16xi32>
      %sub3A_150 = arith.constant 8 : i32
      %sub3A_151 = vector.broadcast %sub3A_150 : i32 to vector<16xi32>
      %sub3A_152 = arith.subi %iota3A, %sub3A_151 : vector<16xi32>
      %add3A_153 = arith.constant 1 : i32
      %add3A_154 = vector.broadcast %add3A_153 : i32 to vector<16xi32>
      %add3A_155 = arith.addi %sub3A_152, %add3A_154 : vector<16xi32>
      %max3A_156 = arith.constant 0 : i32
      %max3A_157 = vector.broadcast %max3A_156 : i32 to vector<16xi32>
      %max3A_158 = arith.maxsi %add3A_155, %max3A_157 : vector<16xi32>
      %min3A_159 = arith.constant 1 : i32
      %min3A_160 = vector.broadcast %min3A_159 : i32 to vector<16xi32>
      %min3A_161 = arith.minsi %min3A_160, %max3A_158 : vector<16xi32>
      %broadcast_in_dim3A_162 = vector.shape_cast %max3A_149 : vector<16xi32> to vector<16x1xi32>
      %gather3A_163 = vector.shape_cast %broadcast_in_dim3A_162 : vector<16x1xi32> to vector<16xi32>
      %gather3A_164 = tpu.dynamic_gather %add3A_143[%gather3A_163] in [0] : vector<16xi32>, vector<16xi32> -> vector<16xi32>
      %mul3A_165 = arith.muli %gather3A_164, %min3A_161 : vector<16xi32>
      %add3A_166 = arith.addi %add3A_143, %mul3A_165 : vector<16xi32>
      %and3A = arith.constant 65535 : i32
      %and3A_167 = vector.broadcast %and3A : i32 to vector<16xi32>
      %and3A_168 = arith.andi %add3A_166, %and3A_167 : vector<16xi32>
      %shift_right_logical3A = arith.constant 16 : i32
      %shift_right_logical3A_169 = vector.broadcast %shift_right_logical3A : i32 to vector<16xi32>
      %shift_right_logical3A_170 = arith.shrui %add3A_166, %shift_right_logical3A_169 : vector<16xi32>
      %add3A_171 = vector.broadcast %scan3A_49 : i32 to vector<16xi32>
      %add3A_172 = arith.addi %add3A_171, %and3A_168 : vector<16xi32>
      %sub3A_173 = arith.subi %add3A_172, %max3A_63 : vector<16xi32>
      %add3A_174 = vector.broadcast %scan3A_50 : i32 to vector<16xi32>
      %add3A_175 = arith.addi %add3A_174, %shift_right_logical3A_170 : vector<16xi32>
      %sub3A_176 = arith.subi %add3A_175, %max3A_72 : vector<16xi32>
      %min3A_177 = arith.constant 94 : i32
      %min3A_178 = vector.broadcast %min3A_177 : i32 to vector<16xi32>
      %min3A_179 = arith.minsi %sub3A_173, %min3A_178 : vector<16xi32>
      %mul3A_180 = arith.muli %min3A_179, %max3A_63 : vector<16xi32>
      %sub3A_181 = arith.constant 1 : i32
      %sub3A_182 = vector.broadcast %sub3A_181 : i32 to vector<16xi32>
      %sub3A_183 = arith.subi %sub3A_182, %max3A_63 : vector<16xi32>
      %mul3A_184 = arith.constant 95 : i32
      %mul3A_185 = vector.broadcast %mul3A_184 : i32 to vector<16xi32>
      %mul3A_186 = arith.muli %mul3A_185, %sub3A_183 : vector<16xi32>
      %add3A_187 = arith.addi %mul3A_180, %mul3A_186 : vector<16xi32>
      %min3A_188 = arith.constant 94 : i32
      %min3A_189 = vector.broadcast %min3A_188 : i32 to vector<16xi32>
      %min3A_190 = arith.minsi %sub3A_176, %min3A_189 : vector<16xi32>
      %mul3A_191 = arith.muli %min3A_190, %max3A_72 : vector<16xi32>
      %sub3A_192 = arith.constant 1 : i32
      %sub3A_193 = vector.broadcast %sub3A_192 : i32 to vector<16xi32>
      %sub3A_194 = arith.subi %sub3A_193, %max3A_72 : vector<16xi32>
      %mul3A_195 = arith.constant 95 : i32
      %mul3A_196 = vector.broadcast %mul3A_195 : i32 to vector<16xi32>
      %mul3A_197 = arith.muli %mul3A_196, %sub3A_194 : vector<16xi32>
      %add3A_198 = arith.addi %mul3A_191, %mul3A_197 : vector<16xi32>
      tpu.vector_store_idx %arg5[%add3A_187], %add3A_57 : memref<96xi32, #tpu.memory_space<vmem>>[vector<16xi32>], vector<16xi32>,
      tpu.vector_store_idx %arg6[%add3A_198], %add3A_57 : memref<96xi32, #tpu.memory_space<vmem>>[vector<16xi32>], vector<16xi32>,
      %slice3A = vector.extract_strided_slice %and3A_168 {offsets = [15], sizes = [1], strides = [1]} : vector<16xi32> to vector<1xi32>
      %squeeze3A = vector.extract %slice3A[0] : i32 from vector<1xi32>
      %add3A_199 = arith.addi %scan3A_49, %squeeze3A : i32
      %slice3A_200 = vector.extract_strided_slice %shift_right_logical3A_170 {offsets = [15], sizes = [1], strides = [1]} : vector<16xi32> to vector<1xi32>
      %squeeze3A_201 = vector.extract %slice3A_200[0] : i32 from vector<1xi32>
      %add3A_202 = arith.addi %scan3A_50, %squeeze3A_201 : i32
      %scan3A_203 = arith.constant 1 : i32
      %scan3A_204 = arith.addi %scan3A_48, %scan3A_203 : i32
      %mul3A_205 = arith.constant 16 : i32
      %mul3A_206 = arith.muli %scan3A_204, %mul3A_205 : i32
      %get3A_207 = arith.index_cast %mul3A_206 : i32 to index
      %get3A_208 = tpu.vector_load %arg4[%get3A_207] {strides = array<i32>} : memref<4096xi32, #tpu.memory_space<vmem>>, vector<16xi32>,
      %mul3A_209 = arith.constant 16 : i32
      %mul3A_210 = arith.muli %scan3A_204, %mul3A_209 : i32
      %add3A_211 = vector.broadcast %mul3A_210 : i32 to vector<16xi32>
      %add3A_212 = arith.addi %iota3A, %add3A_211 : vector<16xi32>
      %sub3A_213 = vector.broadcast %mul3A_26 : i32 to vector<16xi32>
      %sub3A_214 = arith.subi %get3A_208, %sub3A_213 : vector<16xi32>
      %abs3A_215 = math.absi %sub3A_214 : vector<16xi32>
      %sub3A_216 = arith.constant 1 : i32
      %sub3A_217 = vector.broadcast %sub3A_216 : i32 to vector<16xi32>
      %sub3A_218 = arith.subi %sub3A_217, %abs3A_215 : vector<16xi32>
      %max3A_219 = arith.constant 0 : i32
      %max3A_220 = vector.broadcast %max3A_219 : i32 to vector<16xi32>
      %max3A_221 = arith.maxsi %max3A_220, %sub3A_218 : vector<16xi32>
      %sub3A_222 = vector.broadcast %add3A_30 : i32 to vector<16xi32>
      %sub3A_223 = arith.subi %get3A_208, %sub3A_222 : vector<16xi32>
      %abs3A_224 = math.absi %sub3A_223 : vector<16xi32>
      %sub3A_225 = arith.constant 1 : i32
      %sub3A_226 = vector.broadcast %sub3A_225 : i32 to vector<16xi32>
      %sub3A_227 = arith.subi %sub3A_226, %abs3A_224 : vector<16xi32>
      %max3A_228 = arith.constant 0 : i32
      %max3A_229 = vector.broadcast %max3A_228 : i32 to vector<16xi32>
      %max3A_230 = arith.maxsi %max3A_229, %sub3A_227 : vector<16xi32>
      %mul3A_231 = arith.constant 65536 : i32
      %mul3A_232 = vector.broadcast %mul3A_231 : i32 to vector<16xi32>
      %mul3A_233 = arith.muli %max3A_230, %mul3A_232 : vector<16xi32>
      %add3A_234 = arith.addi %max3A_221, %mul3A_233 : vector<16xi32>
      %sub3A_235 = arith.constant 1 : i32
      %sub3A_236 = vector.broadcast %sub3A_235 : i32 to vector<16xi32>
      %sub3A_237 = arith.subi %iota3A, %sub3A_236 : vector<16xi32>
      %max3A_238 = arith.constant 0 : i32
      %max3A_239 = vector.broadcast %max3A_238 : i32 to vector<16xi32>
      %max3A_240 = arith.maxsi %sub3A_237, %max3A_239 : vector<16xi32>
      %sub3A_241 = arith.constant 1 : i32
      %sub3A_242 = vector.broadcast %sub3A_241 : i32 to vector<16xi32>
      %sub3A_243 = arith.subi %iota3A, %sub3A_242 : vector<16xi32>
      %add3A_244 = arith.constant 1 : i32
      %add3A_245 = vector.broadcast %add3A_244 : i32 to vector<16xi32>
      %add3A_246 = arith.addi %sub3A_243, %add3A_245 : vector<16xi32>
      %max3A_247 = arith.constant 0 : i32
      %max3A_248 = vector.broadcast %max3A_247 : i32 to vector<16xi32>
      %max3A_249 = arith.maxsi %add3A_246, %max3A_248 : vector<16xi32>
      %min3A_250 = arith.constant 1 : i32
      %min3A_251 = vector.broadcast %min3A_250 : i32 to vector<16xi32>
      %min3A_252 = arith.minsi %min3A_251, %max3A_249 : vector<16xi32>
      %broadcast_in_dim3A_253 = vector.shape_cast %max3A_240 : vector<16xi32> to vector<16x1xi32>
      %gather3A_254 = vector.shape_cast %broadcast_in_dim3A_253 : vector<16x1xi32> to vector<16xi32>
      %gather3A_255 = tpu.dynamic_gather %add3A_234[%gather3A_254] in [0] : vector<16xi32>, vector<16xi32> -> vector<16xi32>
      %mul3A_256 = arith.muli %gather3A_255, %min3A_252 : vector<16xi32>
      %add3A_257 = arith.addi %add3A_234, %mul3A_256 : vector<16xi32>
      %sub3A_258 = arith.constant 2 : i32
      %sub3A_259 = vector.broadcast %sub3A_258 : i32 to vector<16xi32>
      %sub3A_260 = arith.subi %iota3A, %sub3A_259 : vector<16xi32>
      %max3A_261 = arith.constant 0 : i32
      %max3A_262 = vector.broadcast %max3A_261 : i32 to vector<16xi32>
      %max3A_263 = arith.maxsi %sub3A_260, %max3A_262 : vector<16xi32>
      %sub3A_264 = arith.constant 2 : i32
      %sub3A_265 = vector.broadcast %sub3A_264 : i32 to vector<16xi32>
      %sub3A_266 = arith.subi %iota3A, %sub3A_265 : vector<16xi32>
      %add3A_267 = arith.constant 1 : i32
      %add3A_268 = vector.broadcast %add3A_267 : i32 to vector<16xi32>
      %add3A_269 = arith.addi %sub3A_266, %add3A_268 : vector<16xi32>
      %max3A_270 = arith.constant 0 : i32
      %max3A_271 = vector.broadcast %max3A_270 : i32 to vector<16xi32>
      %max3A_272 = arith.maxsi %add3A_269, %max3A_271 : vector<16xi32>
      %min3A_273 = arith.constant 1 : i32
      %min3A_274 = vector.broadcast %min3A_273 : i32 to vector<16xi32>
      %min3A_275 = arith.minsi %min3A_274, %max3A_272 : vector<16xi32>
      %broadcast_in_dim3A_276 = vector.shape_cast %max3A_263 : vector<16xi32> to vector<16x1xi32>
      %gather3A_277 = vector.shape_cast %broadcast_in_dim3A_276 : vector<16x1xi32> to vector<16xi32>
      %gather3A_278 = tpu.dynamic_gather %add3A_257[%gather3A_277] in [0] : vector<16xi32>, vector<16xi32> -> vector<16xi32>
      %mul3A_279 = arith.muli %gather3A_278, %min3A_275 : vector<16xi32>
      %add3A_280 = arith.addi %add3A_257, %mul3A_279 : vector<16xi32>
      %sub3A_281 = arith.constant 4 : i32
      %sub3A_282 = vector.broadcast %sub3A_281 : i32 to vector<16xi32>
      %sub3A_283 = arith.subi %iota3A, %sub3A_282 : vector<16xi32>
      %max3A_284 = arith.constant 0 : i32
      %max3A_285 = vector.broadcast %max3A_284 : i32 to vector<16xi32>
      %max3A_286 = arith.maxsi %sub3A_283, %max3A_285 : vector<16xi32>
      %sub3A_287 = arith.constant 4 : i32
      %sub3A_288 = vector.broadcast %sub3A_287 : i32 to vector<16xi32>
      %sub3A_289 = arith.subi %iota3A, %sub3A_288 : vector<16xi32>
      %add3A_290 = arith.constant 1 : i32
      %add3A_291 = vector.broadcast %add3A_290 : i32 to vector<16xi32>
      %add3A_292 = arith.addi %sub3A_289, %add3A_291 : vector<16xi32>
      %max3A_293 = arith.constant 0 : i32
      %max3A_294 = vector.broadcast %max3A_293 : i32 to vector<16xi32>
      %max3A_295 = arith.maxsi %add3A_292, %max3A_294 : vector<16xi32>
      %min3A_296 = arith.constant 1 : i32
      %min3A_297 = vector.broadcast %min3A_296 : i32 to vector<16xi32>
      %min3A_298 = arith.minsi %min3A_297, %max3A_295 : vector<16xi32>
      %broadcast_in_dim3A_299 = vector.shape_cast %max3A_286 : vector<16xi32> to vector<16x1xi32>
      %gather3A_300 = vector.shape_cast %broadcast_in_dim3A_299 : vector<16x1xi32> to vector<16xi32>
      %gather3A_301 = tpu.dynamic_gather %add3A_280[%gather3A_300] in [0] : vector<16xi32>, vector<16xi32> -> vector<16xi32>
      %mul3A_302 = arith.muli %gather3A_301, %min3A_298 : vector<16xi32>
      %add3A_303 = arith.addi %add3A_280, %mul3A_302 : vector<16xi32>
      %sub3A_304 = arith.constant 8 : i32
      %sub3A_305 = vector.broadcast %sub3A_304 : i32 to vector<16xi32>
      %sub3A_306 = arith.subi %iota3A, %sub3A_305 : vector<16xi32>
      %max3A_307 = arith.constant 0 : i32
      %max3A_308 = vector.broadcast %max3A_307 : i32 to vector<16xi32>
      %max3A_309 = arith.maxsi %sub3A_306, %max3A_308 : vector<16xi32>
      %sub3A_310 = arith.constant 8 : i32
      %sub3A_311 = vector.broadcast %sub3A_310 : i32 to vector<16xi32>
      %sub3A_312 = arith.subi %iota3A, %sub3A_311 : vector<16xi32>
      %add3A_313 = arith.constant 1 : i32
      %add3A_314 = vector.broadcast %add3A_313 : i32 to vector<16xi32>
      %add3A_315 = arith.addi %sub3A_312, %add3A_314 : vector<16xi32>
      %max3A_316 = arith.constant 0 : i32
      %max3A_317 = vector.broadcast %max3A_316 : i32 to vector<16xi32>
      %max3A_318 = arith.maxsi %add3A_315, %max3A_317 : vector<16xi32>
      %min3A_319 = arith.constant 1 : i32
      %min3A_320 = vector.broadcast %min3A_319 : i32 to vector<16xi32>
      %min3A_321 = arith.minsi %min3A_320, %max3A_318 : vector<16xi32>
      %broadcast_in_dim3A_322 = vector.shape_cast %max3A_309 : vector<16xi32> to vector<16x1xi32>
      %gather3A_323 = vector.shape_cast %broadcast_in_dim3A_322 : vector<16x1xi32> to vector<16xi32>
      %gather3A_324 = tpu.dynamic_gather %add3A_303[%gather3A_323] in [0] : vector<16xi32>, vector<16xi32> -> vector<16xi32>
      %mul3A_325 = arith.muli %gather3A_324, %min3A_321 : vector<16xi32>
      %add3A_326 = arith.addi %add3A_303, %mul3A_325 : vector<16xi32>
      %and3A_327 = arith.constant 65535 : i32
      %and3A_328 = vector.broadcast %and3A_327 : i32 to vector<16xi32>
      %and3A_329 = arith.andi %add3A_326, %and3A_328 : vector<16xi32>
      %shift_right_logical3A_330 = arith.constant 16 : i32
      %shift_right_logical3A_331 = vector.broadcast %shift_right_logical3A_330 : i32 to vector<16xi32>
      %shift_right_logical3A_332 = arith.shrui %add3A_326, %shift_right_logical3A_331 : vector<16xi32>
      %add3A_333 = vector.broadcast %add3A_199 : i32 to vector<16xi32>
      %add3A_334 = arith.addi %add3A_333, %and3A_329 : vector<16xi32>
      %sub3A_335 = arith.subi %add3A_334, %max3A_221 : vector<16xi32>
      %add3A_336 = vector.broadcast %add3A_202 : i32 to vector<16xi32>
      %add3A_337 = arith.addi %add3A_336, %shift_right_logical3A_332 : vector<16xi32>
      %sub3A_338 = arith.subi %add3A_337, %max3A_230 : vector<16xi32>
      %min3A_339 = arith.constant 94 : i32
      %min3A_340 = vector.broadcast %min3A_339 : i32 to vector<16xi32>
      %min3A_341 = arith.minsi %sub3A_335, %min3A_340 : vector<16xi32>
      %mul3A_342 = arith.muli %min3A_341, %max3A_221 : vector<16xi32>
      %sub3A_343 = arith.constant 1 : i32
      %sub3A_344 = vector.broadcast %sub3A_343 : i32 to vector<16xi32>
      %sub3A_345 = arith.subi %sub3A_344, %max3A_221 : vector<16xi32>
      %mul3A_346 = arith.constant 95 : i32
      %mul3A_347 = vector.broadcast %mul3A_346 : i32 to vector<16xi32>
      %mul3A_348 = arith.muli %mul3A_347, %sub3A_345 : vector<16xi32>
      %add3A_349 = arith.addi %mul3A_342, %mul3A_348 : vector<16xi32>
      %min3A_350 = arith.constant 94 : i32
      %min3A_351 = vector.broadcast %min3A_350 : i32 to vector<16xi32>
      %min3A_352 = arith.minsi %sub3A_338, %min3A_351 : vector<16xi32>
      %mul3A_353 = arith.muli %min3A_352, %max3A_230 : vector<16xi32>
      %sub3A_354 = arith.constant 1 : i32
      %sub3A_355 = vector.broadcast %sub3A_354 : i32 to vector<16xi32>
      %sub3A_356 = arith.subi %sub3A_355, %max3A_230 : vector<16xi32>
      %mul3A_357 = arith.constant 95 : i32
      %mul3A_358 = vector.broadcast %mul3A_357 : i32 to vector<16xi32>
      %mul3A_359 = arith.muli %mul3A_358, %sub3A_356 : vector<16xi32>
      %add3A_360 = arith.addi %mul3A_353, %mul3A_359 : vector<16xi32>
      tpu.vector_store_idx %arg5[%add3A_349], %add3A_212 : memref<96xi32, #tpu.memory_space<vmem>>[vector<16xi32>], vector<16xi32>,
      tpu.vector_store_idx %arg6[%add3A_360], %add3A_212 : memref<96xi32, #tpu.memory_space<vmem>>[vector<16xi32>], vector<16xi32>,
      %slice3A_361 = vector.extract_strided_slice %and3A_329 {offsets = [15], sizes = [1], strides = [1]} : vector<16xi32> to vector<1xi32>
      %squeeze3A_362 = vector.extract %slice3A_361[0] : i32 from vector<1xi32>
      %add3A_363 = arith.addi %add3A_199, %squeeze3A_362 : i32
      %slice3A_364 = vector.extract_strided_slice %shift_right_logical3A_332 {offsets = [15], sizes = [1], strides = [1]} : vector<16xi32> to vector<1xi32>
      %squeeze3A_365 = vector.extract %slice3A_364[0] : i32 from vector<1xi32>
      %add3A_366 = arith.addi %add3A_202, %squeeze3A_365 : i32
      %scan3A_367 = arith.constant 2 : i32
      %scan3A_368 = arith.addi %scan3A_48, %scan3A_367 : i32
      %mul3A_369 = arith.constant 16 : i32
      %mul3A_370 = arith.muli %scan3A_368, %mul3A_369 : i32
      %get3A_371 = arith.index_cast %mul3A_370 : i32 to index
      %get3A_372 = tpu.vector_load %arg4[%get3A_371] {strides = array<i32>} : memref<4096xi32, #tpu.memory_space<vmem>>, vector<16xi32>,
      %mul3A_373 = arith.constant 16 : i32
      %mul3A_374 = arith.muli %scan3A_368, %mul3A_373 : i32
      %add3A_375 = vector.broadcast %mul3A_374 : i32 to vector<16xi32>
      %add3A_376 = arith.addi %iota3A, %add3A_375 : vector<16xi32>
      %sub3A_377 = vector.broadcast %mul3A_26 : i32 to vector<16xi32>
      %sub3A_378 = arith.subi %get3A_372, %sub3A_377 : vector<16xi32>
      %abs3A_379 = math.absi %sub3A_378 : vector<16xi32>
      %sub3A_380 = arith.constant 1 : i32
      %sub3A_381 = vector.broadcast %sub3A_380 : i32 to vector<16xi32>
      %sub3A_382 = arith.subi %sub3A_381, %abs3A_379 : vector<16xi32>
      %max3A_383 = arith.constant 0 : i32
      %max3A_384 = vector.broadcast %max3A_383 : i32 to vector<16xi32>
      %max3A_385 = arith.maxsi %max3A_384, %sub3A_382 : vector<16xi32>
      %sub3A_386 = vector.broadcast %add3A_30 : i32 to vector<16xi32>
      %sub3A_387 = arith.subi %get3A_372, %sub3A_386 : vector<16xi32>
      %abs3A_388 = math.absi %sub3A_387 : vector<16xi32>
      %sub3A_389 = arith.constant 1 : i32
      %sub3A_390 = vector.broadcast %sub3A_389 : i32 to vector<16xi32>
      %sub3A_391 = arith.subi %sub3A_390, %abs3A_388 : vector<16xi32>
      %max3A_392 = arith.constant 0 : i32
      %max3A_393 = vector.broadcast %max3A_392 : i32 to vector<16xi32>
      %max3A_394 = arith.maxsi %max3A_393, %sub3A_391 : vector<16xi32>
      %mul3A_395 = arith.constant 65536 : i32
      %mul3A_396 = vector.broadcast %mul3A_395 : i32 to vector<16xi32>
      %mul3A_397 = arith.muli %max3A_394, %mul3A_396 : vector<16xi32>
      %add3A_398 = arith.addi %max3A_385, %mul3A_397 : vector<16xi32>
      %sub3A_399 = arith.constant 1 : i32
      %sub3A_400 = vector.broadcast %sub3A_399 : i32 to vector<16xi32>
      %sub3A_401 = arith.subi %iota3A, %sub3A_400 : vector<16xi32>
      %max3A_402 = arith.constant 0 : i32
      %max3A_403 = vector.broadcast %max3A_402 : i32 to vector<16xi32>
      %max3A_404 = arith.maxsi %sub3A_401, %max3A_403 : vector<16xi32>
      %sub3A_405 = arith.constant 1 : i32
      %sub3A_406 = vector.broadcast %sub3A_405 : i32 to vector<16xi32>
      %sub3A_407 = arith.subi %iota3A, %sub3A_406 : vector<16xi32>
      %add3A_408 = arith.constant 1 : i32
      %add3A_409 = vector.broadcast %add3A_408 : i32 to vector<16xi32>
      %add3A_410 = arith.addi %sub3A_407, %add3A_409 : vector<16xi32>
      %max3A_411 = arith.constant 0 : i32
      %max3A_412 = vector.broadcast %max3A_411 : i32 to vector<16xi32>
      %max3A_413 = arith.maxsi %add3A_410, %max3A_412 : vector<16xi32>
      %min3A_414 = arith.constant 1 : i32
      %min3A_415 = vector.broadcast %min3A_414 : i32 to vector<16xi32>
      %min3A_416 = arith.minsi %min3A_415, %max3A_413 : vector<16xi32>
      %broadcast_in_dim3A_417 = vector.shape_cast %max3A_404 : vector<16xi32> to vector<16x1xi32>
      %gather3A_418 = vector.shape_cast %broadcast_in_dim3A_417 : vector<16x1xi32> to vector<16xi32>
      %gather3A_419 = tpu.dynamic_gather %add3A_398[%gather3A_418] in [0] : vector<16xi32>, vector<16xi32> -> vector<16xi32>
      %mul3A_420 = arith.muli %gather3A_419, %min3A_416 : vector<16xi32>
      %add3A_421 = arith.addi %add3A_398, %mul3A_420 : vector<16xi32>
      %sub3A_422 = arith.constant 2 : i32
      %sub3A_423 = vector.broadcast %sub3A_422 : i32 to vector<16xi32>
      %sub3A_424 = arith.subi %iota3A, %sub3A_423 : vector<16xi32>
      %max3A_425 = arith.constant 0 : i32
      %max3A_426 = vector.broadcast %max3A_425 : i32 to vector<16xi32>
      %max3A_427 = arith.maxsi %sub3A_424, %max3A_426 : vector<16xi32>
      %sub3A_428 = arith.constant 2 : i32
      %sub3A_429 = vector.broadcast %sub3A_428 : i32 to vector<16xi32>
      %sub3A_430 = arith.subi %iota3A, %sub3A_429 : vector<16xi32>
      %add3A_431 = arith.constant 1 : i32
      %add3A_432 = vector.broadcast %add3A_431 : i32 to vector<16xi32>
      %add3A_433 = arith.addi %sub3A_430, %add3A_432 : vector<16xi32>
      %max3A_434 = arith.constant 0 : i32
      %max3A_435 = vector.broadcast %max3A_434 : i32 to vector<16xi32>
      %max3A_436 = arith.maxsi %add3A_433, %max3A_435 : vector<16xi32>
      %min3A_437 = arith.constant 1 : i32
      %min3A_438 = vector.broadcast %min3A_437 : i32 to vector<16xi32>
      %min3A_439 = arith.minsi %min3A_438, %max3A_436 : vector<16xi32>
      %broadcast_in_dim3A_440 = vector.shape_cast %max3A_427 : vector<16xi32> to vector<16x1xi32>
      %gather3A_441 = vector.shape_cast %broadcast_in_dim3A_440 : vector<16x1xi32> to vector<16xi32>
      %gather3A_442 = tpu.dynamic_gather %add3A_421[%gather3A_441] in [0] : vector<16xi32>, vector<16xi32> -> vector<16xi32>
      %mul3A_443 = arith.muli %gather3A_442, %min3A_439 : vector<16xi32>
      %add3A_444 = arith.addi %add3A_421, %mul3A_443 : vector<16xi32>
      %sub3A_445 = arith.constant 4 : i32
      %sub3A_446 = vector.broadcast %sub3A_445 : i32 to vector<16xi32>
      %sub3A_447 = arith.subi %iota3A, %sub3A_446 : vector<16xi32>
      %max3A_448 = arith.constant 0 : i32
      %max3A_449 = vector.broadcast %max3A_448 : i32 to vector<16xi32>
      %max3A_450 = arith.maxsi %sub3A_447, %max3A_449 : vector<16xi32>
      %sub3A_451 = arith.constant 4 : i32
      %sub3A_452 = vector.broadcast %sub3A_451 : i32 to vector<16xi32>
      %sub3A_453 = arith.subi %iota3A, %sub3A_452 : vector<16xi32>
      %add3A_454 = arith.constant 1 : i32
      %add3A_455 = vector.broadcast %add3A_454 : i32 to vector<16xi32>
      %add3A_456 = arith.addi %sub3A_453, %add3A_455 : vector<16xi32>
      %max3A_457 = arith.constant 0 : i32
      %max3A_458 = vector.broadcast %max3A_457 : i32 to vector<16xi32>
      %max3A_459 = arith.maxsi %add3A_456, %max3A_458 : vector<16xi32>
      %min3A_460 = arith.constant 1 : i32
      %min3A_461 = vector.broadcast %min3A_460 : i32 to vector<16xi32>
      %min3A_462 = arith.minsi %min3A_461, %max3A_459 : vector<16xi32>
      %broadcast_in_dim3A_463 = vector.shape_cast %max3A_450 : vector<16xi32> to vector<16x1xi32>
      %gather3A_464 = vector.shape_cast %broadcast_in_dim3A_463 : vector<16x1xi32> to vector<16xi32>
      %gather3A_465 = tpu.dynamic_gather %add3A_444[%gather3A_464] in [0] : vector<16xi32>, vector<16xi32> -> vector<16xi32>
      %mul3A_466 = arith.muli %gather3A_465, %min3A_462 : vector<16xi32>
      %add3A_467 = arith.addi %add3A_444, %mul3A_466 : vector<16xi32>
      %sub3A_468 = arith.constant 8 : i32
      %sub3A_469 = vector.broadcast %sub3A_468 : i32 to vector<16xi32>
      %sub3A_470 = arith.subi %iota3A, %sub3A_469 : vector<16xi32>
      %max3A_471 = arith.constant 0 : i32
      %max3A_472 = vector.broadcast %max3A_471 : i32 to vector<16xi32>
      %max3A_473 = arith.maxsi %sub3A_470, %max3A_472 : vector<16xi32>
      %sub3A_474 = arith.constant 8 : i32
      %sub3A_475 = vector.broadcast %sub3A_474 : i32 to vector<16xi32>
      %sub3A_476 = arith.subi %iota3A, %sub3A_475 : vector<16xi32>
      %add3A_477 = arith.constant 1 : i32
      %add3A_478 = vector.broadcast %add3A_477 : i32 to vector<16xi32>
      %add3A_479 = arith.addi %sub3A_476, %add3A_478 : vector<16xi32>
      %max3A_480 = arith.constant 0 : i32
      %max3A_481 = vector.broadcast %max3A_480 : i32 to vector<16xi32>
      %max3A_482 = arith.maxsi %add3A_479, %max3A_481 : vector<16xi32>
      %min3A_483 = arith.constant 1 : i32
      %min3A_484 = vector.broadcast %min3A_483 : i32 to vector<16xi32>
      %min3A_485 = arith.minsi %min3A_484, %max3A_482 : vector<16xi32>
      %broadcast_in_dim3A_486 = vector.shape_cast %max3A_473 : vector<16xi32> to vector<16x1xi32>
      %gather3A_487 = vector.shape_cast %broadcast_in_dim3A_486 : vector<16x1xi32> to vector<16xi32>
      %gather3A_488 = tpu.dynamic_gather %add3A_467[%gather3A_487] in [0] : vector<16xi32>, vector<16xi32> -> vector<16xi32>
      %mul3A_489 = arith.muli %gather3A_488, %min3A_485 : vector<16xi32>
      %add3A_490 = arith.addi %add3A_467, %mul3A_489 : vector<16xi32>
      %and3A_491 = arith.constant 65535 : i32
      %and3A_492 = vector.broadcast %and3A_491 : i32 to vector<16xi32>
      %and3A_493 = arith.andi %add3A_490, %and3A_492 : vector<16xi32>
      %shift_right_logical3A_494 = arith.constant 16 : i32
      %shift_right_logical3A_495 = vector.broadcast %shift_right_logical3A_494 : i32 to vector<16xi32>
      %shift_right_logical3A_496 = arith.shrui %add3A_490, %shift_right_logical3A_495 : vector<16xi32>
      %add3A_497 = vector.broadcast %add3A_363 : i32 to vector<16xi32>
      %add3A_498 = arith.addi %add3A_497, %and3A_493 : vector<16xi32>
      %sub3A_499 = arith.subi %add3A_498, %max3A_385 : vector<16xi32>
      %add3A_500 = vector.broadcast %add3A_366 : i32 to vector<16xi32>
      %add3A_501 = arith.addi %add3A_500, %shift_right_logical3A_496 : vector<16xi32>
      %sub3A_502 = arith.subi %add3A_501, %max3A_394 : vector<16xi32>
      %min3A_503 = arith.constant 94 : i32
      %min3A_504 = vector.broadcast %min3A_503 : i32 to vector<16xi32>
      %min3A_505 = arith.minsi %sub3A_499, %min3A_504 : vector<16xi32>
      %mul3A_506 = arith.muli %min3A_505, %max3A_385 : vector<16xi32>
      %sub3A_507 = arith.constant 1 : i32
      %sub3A_508 = vector.broadcast %sub3A_507 : i32 to vector<16xi32>
      %sub3A_509 = arith.subi %sub3A_508, %max3A_385 : vector<16xi32>
      %mul3A_510 = arith.constant 95 : i32
      %mul3A_511 = vector.broadcast %mul3A_510 : i32 to vector<16xi32>
      %mul3A_512 = arith.muli %mul3A_511, %sub3A_509 : vector<16xi32>
      %add3A_513 = arith.addi %mul3A_506, %mul3A_512 : vector<16xi32>
      %min3A_514 = arith.constant 94 : i32
      %min3A_515 = vector.broadcast %min3A_514 : i32 to vector<16xi32>
      %min3A_516 = arith.minsi %sub3A_502, %min3A_515 : vector<16xi32>
      %mul3A_517 = arith.muli %min3A_516, %max3A_394 : vector<16xi32>
      %sub3A_518 = arith.constant 1 : i32
      %sub3A_519 = vector.broadcast %sub3A_518 : i32 to vector<16xi32>
      %sub3A_520 = arith.subi %sub3A_519, %max3A_394 : vector<16xi32>
      %mul3A_521 = arith.constant 95 : i32
      %mul3A_522 = vector.broadcast %mul3A_521 : i32 to vector<16xi32>
      %mul3A_523 = arith.muli %mul3A_522, %sub3A_520 : vector<16xi32>
      %add3A_524 = arith.addi %mul3A_517, %mul3A_523 : vector<16xi32>
      tpu.vector_store_idx %arg5[%add3A_513], %add3A_376 : memref<96xi32, #tpu.memory_space<vmem>>[vector<16xi32>], vector<16xi32>,
      tpu.vector_store_idx %arg6[%add3A_524], %add3A_376 : memref<96xi32, #tpu.memory_space<vmem>>[vector<16xi32>], vector<16xi32>,
      %slice3A_525 = vector.extract_strided_slice %and3A_493 {offsets = [15], sizes = [1], strides = [1]} : vector<16xi32> to vector<1xi32>
      %squeeze3A_526 = vector.extract %slice3A_525[0] : i32 from vector<1xi32>
      %add3A_527 = arith.addi %add3A_363, %squeeze3A_526 : i32
      %slice3A_528 = vector.extract_strided_slice %shift_right_logical3A_496 {offsets = [15], sizes = [1], strides = [1]} : vector<16xi32> to vector<1xi32>
      %squeeze3A_529 = vector.extract %slice3A_528[0] : i32 from vector<1xi32>
      %add3A_530 = arith.addi %add3A_366, %squeeze3A_529 : i32
      %scan3A_531 = arith.constant 3 : i32
      %scan3A_532 = arith.addi %scan3A_48, %scan3A_531 : i32
      %mul3A_533 = arith.constant 16 : i32
      %mul3A_534 = arith.muli %scan3A_532, %mul3A_533 : i32
      %get3A_535 = arith.index_cast %mul3A_534 : i32 to index
      %get3A_536 = tpu.vector_load %arg4[%get3A_535] {strides = array<i32>} : memref<4096xi32, #tpu.memory_space<vmem>>, vector<16xi32>,
      %mul3A_537 = arith.constant 16 : i32
      %mul3A_538 = arith.muli %scan3A_532, %mul3A_537 : i32
      %add3A_539 = vector.broadcast %mul3A_538 : i32 to vector<16xi32>
      %add3A_540 = arith.addi %iota3A, %add3A_539 : vector<16xi32>
      %sub3A_541 = vector.broadcast %mul3A_26 : i32 to vector<16xi32>
      %sub3A_542 = arith.subi %get3A_536, %sub3A_541 : vector<16xi32>
      %abs3A_543 = math.absi %sub3A_542 : vector<16xi32>
      %sub3A_544 = arith.constant 1 : i32
      %sub3A_545 = vector.broadcast %sub3A_544 : i32 to vector<16xi32>
      %sub3A_546 = arith.subi %sub3A_545, %abs3A_543 : vector<16xi32>
      %max3A_547 = arith.constant 0 : i32
      %max3A_548 = vector.broadcast %max3A_547 : i32 to vector<16xi32>
      %max3A_549 = arith.maxsi %max3A_548, %sub3A_546 : vector<16xi32>
      %sub3A_550 = vector.broadcast %add3A_30 : i32 to vector<16xi32>
      %sub3A_551 = arith.subi %get3A_536, %sub3A_550 : vector<16xi32>
      %abs3A_552 = math.absi %sub3A_551 : vector<16xi32>
      %sub3A_553 = arith.constant 1 : i32
      %sub3A_554 = vector.broadcast %sub3A_553 : i32 to vector<16xi32>
      %sub3A_555 = arith.subi %sub3A_554, %abs3A_552 : vector<16xi32>
      %max3A_556 = arith.constant 0 : i32
      %max3A_557 = vector.broadcast %max3A_556 : i32 to vector<16xi32>
      %max3A_558 = arith.maxsi %max3A_557, %sub3A_555 : vector<16xi32>
      %mul3A_559 = arith.constant 65536 : i32
      %mul3A_560 = vector.broadcast %mul3A_559 : i32 to vector<16xi32>
      %mul3A_561 = arith.muli %max3A_558, %mul3A_560 : vector<16xi32>
      %add3A_562 = arith.addi %max3A_549, %mul3A_561 : vector<16xi32>
      %sub3A_563 = arith.constant 1 : i32
      %sub3A_564 = vector.broadcast %sub3A_563 : i32 to vector<16xi32>
      %sub3A_565 = arith.subi %iota3A, %sub3A_564 : vector<16xi32>
      %max3A_566 = arith.constant 0 : i32
      %max3A_567 = vector.broadcast %max3A_566 : i32 to vector<16xi32>
      %max3A_568 = arith.maxsi %sub3A_565, %max3A_567 : vector<16xi32>
      %sub3A_569 = arith.constant 1 : i32
      %sub3A_570 = vector.broadcast %sub3A_569 : i32 to vector<16xi32>
      %sub3A_571 = arith.subi %iota3A, %sub3A_570 : vector<16xi32>
      %add3A_572 = arith.constant 1 : i32
      %add3A_573 = vector.broadcast %add3A_572 : i32 to vector<16xi32>
      %add3A_574 = arith.addi %sub3A_571, %add3A_573 : vector<16xi32>
      %max3A_575 = arith.constant 0 : i32
      %max3A_576 = vector.broadcast %max3A_575 : i32 to vector<16xi32>
      %max3A_577 = arith.maxsi %add3A_574, %max3A_576 : vector<16xi32>
      %min3A_578 = arith.constant 1 : i32
      %min3A_579 = vector.broadcast %min3A_578 : i32 to vector<16xi32>
      %min3A_580 = arith.minsi %min3A_579, %max3A_577 : vector<16xi32>
      %broadcast_in_dim3A_581 = vector.shape_cast %max3A_568 : vector<16xi32> to vector<16x1xi32>
      %gather3A_582 = vector.shape_cast %broadcast_in_dim3A_581 : vector<16x1xi32> to vector<16xi32>
      %gather3A_583 = tpu.dynamic_gather %add3A_562[%gather3A_582] in [0] : vector<16xi32>, vector<16xi32> -> vector<16xi32>
      %mul3A_584 = arith.muli %gather3A_583, %min3A_580 : vector<16xi32>
      %add3A_585 = arith.addi %add3A_562, %mul3A_584 : vector<16xi32>
      %sub3A_586 = arith.constant 2 : i32
      %sub3A_587 = vector.broadcast %sub3A_586 : i32 to vector<16xi32>
      %sub3A_588 = arith.subi %iota3A, %sub3A_587 : vector<16xi32>
      %max3A_589 = arith.constant 0 : i32
      %max3A_590 = vector.broadcast %max3A_589 : i32 to vector<16xi32>
      %max3A_591 = arith.maxsi %sub3A_588, %max3A_590 : vector<16xi32>
      %sub3A_592 = arith.constant 2 : i32
      %sub3A_593 = vector.broadcast %sub3A_592 : i32 to vector<16xi32>
      %sub3A_594 = arith.subi %iota3A, %sub3A_593 : vector<16xi32>
      %add3A_595 = arith.constant 1 : i32
      %add3A_596 = vector.broadcast %add3A_595 : i32 to vector<16xi32>
      %add3A_597 = arith.addi %sub3A_594, %add3A_596 : vector<16xi32>
      %max3A_598 = arith.constant 0 : i32
      %max3A_599 = vector.broadcast %max3A_598 : i32 to vector<16xi32>
      %max3A_600 = arith.maxsi %add3A_597, %max3A_599 : vector<16xi32>
      %min3A_601 = arith.constant 1 : i32
      %min3A_602 = vector.broadcast %min3A_601 : i32 to vector<16xi32>
      %min3A_603 = arith.minsi %min3A_602, %max3A_600 : vector<16xi32>
      %broadcast_in_dim3A_604 = vector.shape_cast %max3A_591 : vector<16xi32> to vector<16x1xi32>
      %gather3A_605 = vector.shape_cast %broadcast_in_dim3A_604 : vector<16x1xi32> to vector<16xi32>
      %gather3A_606 = tpu.dynamic_gather %add3A_585[%gather3A_605] in [0] : vector<16xi32>, vector<16xi32> -> vector<16xi32>
      %mul3A_607 = arith.muli %gather3A_606, %min3A_603 : vector<16xi32>
      %add3A_608 = arith.addi %add3A_585, %mul3A_607 : vector<16xi32>
      %sub3A_609 = arith.constant 4 : i32
      %sub3A_610 = vector.broadcast %sub3A_609 : i32 to vector<16xi32>
      %sub3A_611 = arith.subi %iota3A, %sub3A_610 : vector<16xi32>
      %max3A_612 = arith.constant 0 : i32
      %max3A_613 = vector.broadcast %max3A_612 : i32 to vector<16xi32>
      %max3A_614 = arith.maxsi %sub3A_611, %max3A_613 : vector<16xi32>
      %sub3A_615 = arith.constant 4 : i32
      %sub3A_616 = vector.broadcast %sub3A_615 : i32 to vector<16xi32>
      %sub3A_617 = arith.subi %iota3A, %sub3A_616 : vector<16xi32>
      %add3A_618 = arith.constant 1 : i32
      %add3A_619 = vector.broadcast %add3A_618 : i32 to vector<16xi32>
      %add3A_620 = arith.addi %sub3A_617, %add3A_619 : vector<16xi32>
      %max3A_621 = arith.constant 0 : i32
      %max3A_622 = vector.broadcast %max3A_621 : i32 to vector<16xi32>
      %max3A_623 = arith.maxsi %add3A_620, %max3A_622 : vector<16xi32>
      %min3A_624 = arith.constant 1 : i32
      %min3A_625 = vector.broadcast %min3A_624 : i32 to vector<16xi32>
      %min3A_626 = arith.minsi %min3A_625, %max3A_623 : vector<16xi32>
      %broadcast_in_dim3A_627 = vector.shape_cast %max3A_614 : vector<16xi32> to vector<16x1xi32>
      %gather3A_628 = vector.shape_cast %broadcast_in_dim3A_627 : vector<16x1xi32> to vector<16xi32>
      %gather3A_629 = tpu.dynamic_gather %add3A_608[%gather3A_628] in [0] : vector<16xi32>, vector<16xi32> -> vector<16xi32>
      %mul3A_630 = arith.muli %gather3A_629, %min3A_626 : vector<16xi32>
      %add3A_631 = arith.addi %add3A_608, %mul3A_630 : vector<16xi32>
      %sub3A_632 = arith.constant 8 : i32
      %sub3A_633 = vector.broadcast %sub3A_632 : i32 to vector<16xi32>
      %sub3A_634 = arith.subi %iota3A, %sub3A_633 : vector<16xi32>
      %max3A_635 = arith.constant 0 : i32
      %max3A_636 = vector.broadcast %max3A_635 : i32 to vector<16xi32>
      %max3A_637 = arith.maxsi %sub3A_634, %max3A_636 : vector<16xi32>
      %sub3A_638 = arith.constant 8 : i32
      %sub3A_639 = vector.broadcast %sub3A_638 : i32 to vector<16xi32>
      %sub3A_640 = arith.subi %iota3A, %sub3A_639 : vector<16xi32>
      %add3A_641 = arith.constant 1 : i32
      %add3A_642 = vector.broadcast %add3A_641 : i32 to vector<16xi32>
      %add3A_643 = arith.addi %sub3A_640, %add3A_642 : vector<16xi32>
      %max3A_644 = arith.constant 0 : i32
      %max3A_645 = vector.broadcast %max3A_644 : i32 to vector<16xi32>
      %max3A_646 = arith.maxsi %add3A_643, %max3A_645 : vector<16xi32>
      %min3A_647 = arith.constant 1 : i32
      %min3A_648 = vector.broadcast %min3A_647 : i32 to vector<16xi32>
      %min3A_649 = arith.minsi %min3A_648, %max3A_646 : vector<16xi32>
      %broadcast_in_dim3A_650 = vector.shape_cast %max3A_637 : vector<16xi32> to vector<16x1xi32>
      %gather3A_651 = vector.shape_cast %broadcast_in_dim3A_650 : vector<16x1xi32> to vector<16xi32>
      %gather3A_652 = tpu.dynamic_gather %add3A_631[%gather3A_651] in [0] : vector<16xi32>, vector<16xi32> -> vector<16xi32>
      %mul3A_653 = arith.muli %gather3A_652, %min3A_649 : vector<16xi32>
      %add3A_654 = arith.addi %add3A_631, %mul3A_653 : vector<16xi32>
      %and3A_655 = arith.constant 65535 : i32
      %and3A_656 = vector.broadcast %and3A_655 : i32 to vector<16xi32>
      %and3A_657 = arith.andi %add3A_654, %and3A_656 : vector<16xi32>
      %shift_right_logical3A_658 = arith.constant 16 : i32
      %shift_right_logical3A_659 = vector.broadcast %shift_right_logical3A_658 : i32 to vector<16xi32>
      %shift_right_logical3A_660 = arith.shrui %add3A_654, %shift_right_logical3A_659 : vector<16xi32>
      %add3A_661 = vector.broadcast %add3A_527 : i32 to vector<16xi32>
      %add3A_662 = arith.addi %add3A_661, %and3A_657 : vector<16xi32>
      %sub3A_663 = arith.subi %add3A_662, %max3A_549 : vector<16xi32>
      %add3A_664 = vector.broadcast %add3A_530 : i32 to vector<16xi32>
      %add3A_665 = arith.addi %add3A_664, %shift_right_logical3A_660 : vector<16xi32>
      %sub3A_666 = arith.subi %add3A_665, %max3A_558 : vector<16xi32>
      %min3A_667 = arith.constant 94 : i32
      %min3A_668 = vector.broadcast %min3A_667 : i32 to vector<16xi32>
      %min3A_669 = arith.minsi %sub3A_663, %min3A_668 : vector<16xi32>
      %mul3A_670 = arith.muli %min3A_669, %max3A_549 : vector<16xi32>
      %sub3A_671 = arith.constant 1 : i32
      %sub3A_672 = vector.broadcast %sub3A_671 : i32 to vector<16xi32>
      %sub3A_673 = arith.subi %sub3A_672, %max3A_549 : vector<16xi32>
      %mul3A_674 = arith.constant 95 : i32
      %mul3A_675 = vector.broadcast %mul3A_674 : i32 to vector<16xi32>
      %mul3A_676 = arith.muli %mul3A_675, %sub3A_673 : vector<16xi32>
      %add3A_677 = arith.addi %mul3A_670, %mul3A_676 : vector<16xi32>
      %min3A_678 = arith.constant 94 : i32
      %min3A_679 = vector.broadcast %min3A_678 : i32 to vector<16xi32>
      %min3A_680 = arith.minsi %sub3A_666, %min3A_679 : vector<16xi32>
      %mul3A_681 = arith.muli %min3A_680, %max3A_558 : vector<16xi32>
      %sub3A_682 = arith.constant 1 : i32
      %sub3A_683 = vector.broadcast %sub3A_682 : i32 to vector<16xi32>
      %sub3A_684 = arith.subi %sub3A_683, %max3A_558 : vector<16xi32>
      %mul3A_685 = arith.constant 95 : i32
      %mul3A_686 = vector.broadcast %mul3A_685 : i32 to vector<16xi32>
      %mul3A_687 = arith.muli %mul3A_686, %sub3A_684 : vector<16xi32>
      %add3A_688 = arith.addi %mul3A_681, %mul3A_687 : vector<16xi32>
      tpu.vector_store_idx %arg5[%add3A_677], %add3A_540 : memref<96xi32, #tpu.memory_space<vmem>>[vector<16xi32>], vector<16xi32>,
      tpu.vector_store_idx %arg6[%add3A_688], %add3A_540 : memref<96xi32, #tpu.memory_space<vmem>>[vector<16xi32>], vector<16xi32>,
      %slice3A_689 = vector.extract_strided_slice %and3A_657 {offsets = [15], sizes = [1], strides = [1]} : vector<16xi32> to vector<1xi32>
      %squeeze3A_690 = vector.extract %slice3A_689[0] : i32 from vector<1xi32>
      %add3A_691 = arith.addi %add3A_527, %squeeze3A_690 : i32
      %slice3A_692 = vector.extract_strided_slice %shift_right_logical3A_660 {offsets = [15], sizes = [1], strides = [1]} : vector<16xi32> to vector<1xi32>
      %squeeze3A_693 = vector.extract %slice3A_692[0] : i32 from vector<1xi32>
      %add3A_694 = arith.addi %add3A_530, %squeeze3A_693 : i32
      %scan3A_695 = arith.constant 4 : i32
      %scan3A_696 = arith.addi %scan3A_48, %scan3A_695 : i32
      %mul3A_697 = arith.constant 16 : i32
      %mul3A_698 = arith.muli %scan3A_696, %mul3A_697 : i32
      %get3A_699 = arith.index_cast %mul3A_698 : i32 to index
      %get3A_700 = tpu.vector_load %arg4[%get3A_699] {strides = array<i32>} : memref<4096xi32, #tpu.memory_space<vmem>>, vector<16xi32>,
      %mul3A_701 = arith.constant 16 : i32
      %mul3A_702 = arith.muli %scan3A_696, %mul3A_701 : i32
      %add3A_703 = vector.broadcast %mul3A_702 : i32 to vector<16xi32>
      %add3A_704 = arith.addi %iota3A, %add3A_703 : vector<16xi32>
      %sub3A_705 = vector.broadcast %mul3A_26 : i32 to vector<16xi32>
      %sub3A_706 = arith.subi %get3A_700, %sub3A_705 : vector<16xi32>
      %abs3A_707 = math.absi %sub3A_706 : vector<16xi32>
      %sub3A_708 = arith.constant 1 : i32
      %sub3A_709 = vector.broadcast %sub3A_708 : i32 to vector<16xi32>
      %sub3A_710 = arith.subi %sub3A_709, %abs3A_707 : vector<16xi32>
      %max3A_711 = arith.constant 0 : i32
      %max3A_712 = vector.broadcast %max3A_711 : i32 to vector<16xi32>
      %max3A_713 = arith.maxsi %max3A_712, %sub3A_710 : vector<16xi32>
      %sub3A_714 = vector.broadcast %add3A_30 : i32 to vector<16xi32>
      %sub3A_715 = arith.subi %get3A_700, %sub3A_714 : vector<16xi32>
      %abs3A_716 = math.absi %sub3A_715 : vector<16xi32>
      %sub3A_717 = arith.constant 1 : i32
      %sub3A_718 = vector.broadcast %sub3A_717 : i32 to vector<16xi32>
      %sub3A_719 = arith.subi %sub3A_718, %abs3A_716 : vector<16xi32>
      %max3A_720 = arith.constant 0 : i32
      %max3A_721 = vector.broadcast %max3A_720 : i32 to vector<16xi32>
      %max3A_722 = arith.maxsi %max3A_721, %sub3A_719 : vector<16xi32>
      %mul3A_723 = arith.constant 65536 : i32
      %mul3A_724 = vector.broadcast %mul3A_723 : i32 to vector<16xi32>
      %mul3A_725 = arith.muli %max3A_722, %mul3A_724 : vector<16xi32>
      %add3A_726 = arith.addi %max3A_713, %mul3A_725 : vector<16xi32>
      %sub3A_727 = arith.constant 1 : i32
      %sub3A_728 = vector.broadcast %sub3A_727 : i32 to vector<16xi32>
      %sub3A_729 = arith.subi %iota3A, %sub3A_728 : vector<16xi32>
      %max3A_730 = arith.constant 0 : i32
      %max3A_731 = vector.broadcast %max3A_730 : i32 to vector<16xi32>
      %max3A_732 = arith.maxsi %sub3A_729, %max3A_731 : vector<16xi32>
      %sub3A_733 = arith.constant 1 : i32
      %sub3A_734 = vector.broadcast %sub3A_733 : i32 to vector<16xi32>
      %sub3A_735 = arith.subi %iota3A, %sub3A_734 : vector<16xi32>
      %add3A_736 = arith.constant 1 : i32
      %add3A_737 = vector.broadcast %add3A_736 : i32 to vector<16xi32>
      %add3A_738 = arith.addi %sub3A_735, %add3A_737 : vector<16xi32>
      %max3A_739 = arith.constant 0 : i32
      %max3A_740 = vector.broadcast %max3A_739 : i32 to vector<16xi32>
      %max3A_741 = arith.maxsi %add3A_738, %max3A_740 : vector<16xi32>
      %min3A_742 = arith.constant 1 : i32
      %min3A_743 = vector.broadcast %min3A_742 : i32 to vector<16xi32>
      %min3A_744 = arith.minsi %min3A_743, %max3A_741 : vector<16xi32>
      %broadcast_in_dim3A_745 = vector.shape_cast %max3A_732 : vector<16xi32> to vector<16x1xi32>
      %gather3A_746 = vector.shape_cast %broadcast_in_dim3A_745 : vector<16x1xi32> to vector<16xi32>
      %gather3A_747 = tpu.dynamic_gather %add3A_726[%gather3A_746] in [0] : vector<16xi32>, vector<16xi32> -> vector<16xi32>
      %mul3A_748 = arith.muli %gather3A_747, %min3A_744 : vector<16xi32>
      %add3A_749 = arith.addi %add3A_726, %mul3A_748 : vector<16xi32>
      %sub3A_750 = arith.constant 2 : i32
      %sub3A_751 = vector.broadcast %sub3A_750 : i32 to vector<16xi32>
      %sub3A_752 = arith.subi %iota3A, %sub3A_751 : vector<16xi32>
      %max3A_753 = arith.constant 0 : i32
      %max3A_754 = vector.broadcast %max3A_753 : i32 to vector<16xi32>
      %max3A_755 = arith.maxsi %sub3A_752, %max3A_754 : vector<16xi32>
      %sub3A_756 = arith.constant 2 : i32
      %sub3A_757 = vector.broadcast %sub3A_756 : i32 to vector<16xi32>
      %sub3A_758 = arith.subi %iota3A, %sub3A_757 : vector<16xi32>
      %add3A_759 = arith.constant 1 : i32
      %add3A_760 = vector.broadcast %add3A_759 : i32 to vector<16xi32>
      %add3A_761 = arith.addi %sub3A_758, %add3A_760 : vector<16xi32>
      %max3A_762 = arith.constant 0 : i32
      %max3A_763 = vector.broadcast %max3A_762 : i32 to vector<16xi32>
      %max3A_764 = arith.maxsi %add3A_761, %max3A_763 : vector<16xi32>
      %min3A_765 = arith.constant 1 : i32
      %min3A_766 = vector.broadcast %min3A_765 : i32 to vector<16xi32>
      %min3A_767 = arith.minsi %min3A_766, %max3A_764 : vector<16xi32>
      %broadcast_in_dim3A_768 = vector.shape_cast %max3A_755 : vector<16xi32> to vector<16x1xi32>
      %gather3A_769 = vector.shape_cast %broadcast_in_dim3A_768 : vector<16x1xi32> to vector<16xi32>
      %gather3A_770 = tpu.dynamic_gather %add3A_749[%gather3A_769] in [0] : vector<16xi32>, vector<16xi32> -> vector<16xi32>
      %mul3A_771 = arith.muli %gather3A_770, %min3A_767 : vector<16xi32>
      %add3A_772 = arith.addi %add3A_749, %mul3A_771 : vector<16xi32>
      %sub3A_773 = arith.constant 4 : i32
      %sub3A_774 = vector.broadcast %sub3A_773 : i32 to vector<16xi32>
      %sub3A_775 = arith.subi %iota3A, %sub3A_774 : vector<16xi32>
      %max3A_776 = arith.constant 0 : i32
      %max3A_777 = vector.broadcast %max3A_776 : i32 to vector<16xi32>
      %max3A_778 = arith.maxsi %sub3A_775, %max3A_777 : vector<16xi32>
      %sub3A_779 = arith.constant 4 : i32
      %sub3A_780 = vector.broadcast %sub3A_779 : i32 to vector<16xi32>
      %sub3A_781 = arith.subi %iota3A, %sub3A_780 : vector<16xi32>
      %add3A_782 = arith.constant 1 : i32
      %add3A_783 = vector.broadcast %add3A_782 : i32 to vector<16xi32>
      %add3A_784 = arith.addi %sub3A_781, %add3A_783 : vector<16xi32>
      %max3A_785 = arith.constant 0 : i32
      %max3A_786 = vector.broadcast %max3A_785 : i32 to vector<16xi32>
      %max3A_787 = arith.maxsi %add3A_784, %max3A_786 : vector<16xi32>
      %min3A_788 = arith.constant 1 : i32
      %min3A_789 = vector.broadcast %min3A_788 : i32 to vector<16xi32>
      %min3A_790 = arith.minsi %min3A_789, %max3A_787 : vector<16xi32>
      %broadcast_in_dim3A_791 = vector.shape_cast %max3A_778 : vector<16xi32> to vector<16x1xi32>
      %gather3A_792 = vector.shape_cast %broadcast_in_dim3A_791 : vector<16x1xi32> to vector<16xi32>
      %gather3A_793 = tpu.dynamic_gather %add3A_772[%gather3A_792] in [0] : vector<16xi32>, vector<16xi32> -> vector<16xi32>
      %mul3A_794 = arith.muli %gather3A_793, %min3A_790 : vector<16xi32>
      %add3A_795 = arith.addi %add3A_772, %mul3A_794 : vector<16xi32>
      %sub3A_796 = arith.constant 8 : i32
      %sub3A_797 = vector.broadcast %sub3A_796 : i32 to vector<16xi32>
      %sub3A_798 = arith.subi %iota3A, %sub3A_797 : vector<16xi32>
      %max3A_799 = arith.constant 0 : i32
      %max3A_800 = vector.broadcast %max3A_799 : i32 to vector<16xi32>
      %max3A_801 = arith.maxsi %sub3A_798, %max3A_800 : vector<16xi32>
      %sub3A_802 = arith.constant 8 : i32
      %sub3A_803 = vector.broadcast %sub3A_802 : i32 to vector<16xi32>
      %sub3A_804 = arith.subi %iota3A, %sub3A_803 : vector<16xi32>
      %add3A_805 = arith.constant 1 : i32
      %add3A_806 = vector.broadcast %add3A_805 : i32 to vector<16xi32>
      %add3A_807 = arith.addi %sub3A_804, %add3A_806 : vector<16xi32>
      %max3A_808 = arith.constant 0 : i32
      %max3A_809 = vector.broadcast %max3A_808 : i32 to vector<16xi32>
      %max3A_810 = arith.maxsi %add3A_807, %max3A_809 : vector<16xi32>
      %min3A_811 = arith.constant 1 : i32
      %min3A_812 = vector.broadcast %min3A_811 : i32 to vector<16xi32>
      %min3A_813 = arith.minsi %min3A_812, %max3A_810 : vector<16xi32>
      %broadcast_in_dim3A_814 = vector.shape_cast %max3A_801 : vector<16xi32> to vector<16x1xi32>
      %gather3A_815 = vector.shape_cast %broadcast_in_dim3A_814 : vector<16x1xi32> to vector<16xi32>
      %gather3A_816 = tpu.dynamic_gather %add3A_795[%gather3A_815] in [0] : vector<16xi32>, vector<16xi32> -> vector<16xi32>
      %mul3A_817 = arith.muli %gather3A_816, %min3A_813 : vector<16xi32>
      %add3A_818 = arith.addi %add3A_795, %mul3A_817 : vector<16xi32>
      %and3A_819 = arith.constant 65535 : i32
      %and3A_820 = vector.broadcast %and3A_819 : i32 to vector<16xi32>
      %and3A_821 = arith.andi %add3A_818, %and3A_820 : vector<16xi32>
      %shift_right_logical3A_822 = arith.constant 16 : i32
      %shift_right_logical3A_823 = vector.broadcast %shift_right_logical3A_822 : i32 to vector<16xi32>
      %shift_right_logical3A_824 = arith.shrui %add3A_818, %shift_right_logical3A_823 : vector<16xi32>
      %add3A_825 = vector.broadcast %add3A_691 : i32 to vector<16xi32>
      %add3A_826 = arith.addi %add3A_825, %and3A_821 : vector<16xi32>
      %sub3A_827 = arith.subi %add3A_826, %max3A_713 : vector<16xi32>
      %add3A_828 = vector.broadcast %add3A_694 : i32 to vector<16xi32>
      %add3A_829 = arith.addi %add3A_828, %shift_right_logical3A_824 : vector<16xi32>
      %sub3A_830 = arith.subi %add3A_829, %max3A_722 : vector<16xi32>
      %min3A_831 = arith.constant 94 : i32
      %min3A_832 = vector.broadcast %min3A_831 : i32 to vector<16xi32>
      %min3A_833 = arith.minsi %sub3A_827, %min3A_832 : vector<16xi32>
      %mul3A_834 = arith.muli %min3A_833, %max3A_713 : vector<16xi32>
      %sub3A_835 = arith.constant 1 : i32
      %sub3A_836 = vector.broadcast %sub3A_835 : i32 to vector<16xi32>
      %sub3A_837 = arith.subi %sub3A_836, %max3A_713 : vector<16xi32>
      %mul3A_838 = arith.constant 95 : i32
      %mul3A_839 = vector.broadcast %mul3A_838 : i32 to vector<16xi32>
      %mul3A_840 = arith.muli %mul3A_839, %sub3A_837 : vector<16xi32>
      %add3A_841 = arith.addi %mul3A_834, %mul3A_840 : vector<16xi32>
      %min3A_842 = arith.constant 94 : i32
      %min3A_843 = vector.broadcast %min3A_842 : i32 to vector<16xi32>
      %min3A_844 = arith.minsi %sub3A_830, %min3A_843 : vector<16xi32>
      %mul3A_845 = arith.muli %min3A_844, %max3A_722 : vector<16xi32>
      %sub3A_846 = arith.constant 1 : i32
      %sub3A_847 = vector.broadcast %sub3A_846 : i32 to vector<16xi32>
      %sub3A_848 = arith.subi %sub3A_847, %max3A_722 : vector<16xi32>
      %mul3A_849 = arith.constant 95 : i32
      %mul3A_850 = vector.broadcast %mul3A_849 : i32 to vector<16xi32>
      %mul3A_851 = arith.muli %mul3A_850, %sub3A_848 : vector<16xi32>
      %add3A_852 = arith.addi %mul3A_845, %mul3A_851 : vector<16xi32>
      tpu.vector_store_idx %arg5[%add3A_841], %add3A_704 : memref<96xi32, #tpu.memory_space<vmem>>[vector<16xi32>], vector<16xi32>,
      tpu.vector_store_idx %arg6[%add3A_852], %add3A_704 : memref<96xi32, #tpu.memory_space<vmem>>[vector<16xi32>], vector<16xi32>,
      %slice3A_853 = vector.extract_strided_slice %and3A_821 {offsets = [15], sizes = [1], strides = [1]} : vector<16xi32> to vector<1xi32>
      %squeeze3A_854 = vector.extract %slice3A_853[0] : i32 from vector<1xi32>
      %add3A_855 = arith.addi %add3A_691, %squeeze3A_854 : i32
      %slice3A_856 = vector.extract_strided_slice %shift_right_logical3A_824 {offsets = [15], sizes = [1], strides = [1]} : vector<16xi32> to vector<1xi32>
      %squeeze3A_857 = vector.extract %slice3A_856[0] : i32 from vector<1xi32>
      %add3A_858 = arith.addi %add3A_694, %squeeze3A_857 : i32
      %scan3A_859 = arith.constant 5 : i32
      %scan3A_860 = arith.addi %scan3A_48, %scan3A_859 : i32
      %mul3A_861 = arith.constant 16 : i32
      %mul3A_862 = arith.muli %scan3A_860, %mul3A_861 : i32
      %get3A_863 = arith.index_cast %mul3A_862 : i32 to index
      %get3A_864 = tpu.vector_load %arg4[%get3A_863] {strides = array<i32>} : memref<4096xi32, #tpu.memory_space<vmem>>, vector<16xi32>,
      %mul3A_865 = arith.constant 16 : i32
      %mul3A_866 = arith.muli %scan3A_860, %mul3A_865 : i32
      %add3A_867 = vector.broadcast %mul3A_866 : i32 to vector<16xi32>
      %add3A_868 = arith.addi %iota3A, %add3A_867 : vector<16xi32>
      %sub3A_869 = vector.broadcast %mul3A_26 : i32 to vector<16xi32>
      %sub3A_870 = arith.subi %get3A_864, %sub3A_869 : vector<16xi32>
      %abs3A_871 = math.absi %sub3A_870 : vector<16xi32>
      %sub3A_872 = arith.constant 1 : i32
      %sub3A_873 = vector.broadcast %sub3A_872 : i32 to vector<16xi32>
      %sub3A_874 = arith.subi %sub3A_873, %abs3A_871 : vector<16xi32>
      %max3A_875 = arith.constant 0 : i32
      %max3A_876 = vector.broadcast %max3A_875 : i32 to vector<16xi32>
      %max3A_877 = arith.maxsi %max3A_876, %sub3A_874 : vector<16xi32>
      %sub3A_878 = vector.broadcast %add3A_30 : i32 to vector<16xi32>
      %sub3A_879 = arith.subi %get3A_864, %sub3A_878 : vector<16xi32>
      %abs3A_880 = math.absi %sub3A_879 : vector<16xi32>
      %sub3A_881 = arith.constant 1 : i32
      %sub3A_882 = vector.broadcast %sub3A_881 : i32 to vector<16xi32>
      %sub3A_883 = arith.subi %sub3A_882, %abs3A_880 : vector<16xi32>
      %max3A_884 = arith.constant 0 : i32
      %max3A_885 = vector.broadcast %max3A_884 : i32 to vector<16xi32>
      %max3A_886 = arith.maxsi %max3A_885, %sub3A_883 : vector<16xi32>
      %mul3A_887 = arith.constant 65536 : i32
      %mul3A_888 = vector.broadcast %mul3A_887 : i32 to vector<16xi32>
      %mul3A_889 = arith.muli %max3A_886, %mul3A_888 : vector<16xi32>
      %add3A_890 = arith.addi %max3A_877, %mul3A_889 : vector<16xi32>
      %sub3A_891 = arith.constant 1 : i32
      %sub3A_892 = vector.broadcast %sub3A_891 : i32 to vector<16xi32>
      %sub3A_893 = arith.subi %iota3A, %sub3A_892 : vector<16xi32>
      %max3A_894 = arith.constant 0 : i32
      %max3A_895 = vector.broadcast %max3A_894 : i32 to vector<16xi32>
      %max3A_896 = arith.maxsi %sub3A_893, %max3A_895 : vector<16xi32>
      %sub3A_897 = arith.constant 1 : i32
      %sub3A_898 = vector.broadcast %sub3A_897 : i32 to vector<16xi32>
      %sub3A_899 = arith.subi %iota3A, %sub3A_898 : vector<16xi32>
      %add3A_900 = arith.constant 1 : i32
      %add3A_901 = vector.broadcast %add3A_900 : i32 to vector<16xi32>
      %add3A_902 = arith.addi %sub3A_899, %add3A_901 : vector<16xi32>
      %max3A_903 = arith.constant 0 : i32
      %max3A_904 = vector.broadcast %max3A_903 : i32 to vector<16xi32>
      %max3A_905 = arith.maxsi %add3A_902, %max3A_904 : vector<16xi32>
      %min3A_906 = arith.constant 1 : i32
      %min3A_907 = vector.broadcast %min3A_906 : i32 to vector<16xi32>
      %min3A_908 = arith.minsi %min3A_907, %max3A_905 : vector<16xi32>
      %broadcast_in_dim3A_909 = vector.shape_cast %max3A_896 : vector<16xi32> to vector<16x1xi32>
      %gather3A_910 = vector.shape_cast %broadcast_in_dim3A_909 : vector<16x1xi32> to vector<16xi32>
      %gather3A_911 = tpu.dynamic_gather %add3A_890[%gather3A_910] in [0] : vector<16xi32>, vector<16xi32> -> vector<16xi32>
      %mul3A_912 = arith.muli %gather3A_911, %min3A_908 : vector<16xi32>
      %add3A_913 = arith.addi %add3A_890, %mul3A_912 : vector<16xi32>
      %sub3A_914 = arith.constant 2 : i32
      %sub3A_915 = vector.broadcast %sub3A_914 : i32 to vector<16xi32>
      %sub3A_916 = arith.subi %iota3A, %sub3A_915 : vector<16xi32>
      %max3A_917 = arith.constant 0 : i32
      %max3A_918 = vector.broadcast %max3A_917 : i32 to vector<16xi32>
      %max3A_919 = arith.maxsi %sub3A_916, %max3A_918 : vector<16xi32>
      %sub3A_920 = arith.constant 2 : i32
      %sub3A_921 = vector.broadcast %sub3A_920 : i32 to vector<16xi32>
      %sub3A_922 = arith.subi %iota3A, %sub3A_921 : vector<16xi32>
      %add3A_923 = arith.constant 1 : i32
      %add3A_924 = vector.broadcast %add3A_923 : i32 to vector<16xi32>
      %add3A_925 = arith.addi %sub3A_922, %add3A_924 : vector<16xi32>
      %max3A_926 = arith.constant 0 : i32
      %max3A_927 = vector.broadcast %max3A_926 : i32 to vector<16xi32>
      %max3A_928 = arith.maxsi %add3A_925, %max3A_927 : vector<16xi32>
      %min3A_929 = arith.constant 1 : i32
      %min3A_930 = vector.broadcast %min3A_929 : i32 to vector<16xi32>
      %min3A_931 = arith.minsi %min3A_930, %max3A_928 : vector<16xi32>
      %broadcast_in_dim3A_932 = vector.shape_cast %max3A_919 : vector<16xi32> to vector<16x1xi32>
      %gather3A_933 = vector.shape_cast %broadcast_in_dim3A_932 : vector<16x1xi32> to vector<16xi32>
      %gather3A_934 = tpu.dynamic_gather %add3A_913[%gather3A_933] in [0] : vector<16xi32>, vector<16xi32> -> vector<16xi32>
      %mul3A_935 = arith.muli %gather3A_934, %min3A_931 : vector<16xi32>
      %add3A_936 = arith.addi %add3A_913, %mul3A_935 : vector<16xi32>
      %sub3A_937 = arith.constant 4 : i32
      %sub3A_938 = vector.broadcast %sub3A_937 : i32 to vector<16xi32>
      %sub3A_939 = arith.subi %iota3A, %sub3A_938 : vector<16xi32>
      %max3A_940 = arith.constant 0 : i32
      %max3A_941 = vector.broadcast %max3A_940 : i32 to vector<16xi32>
      %max3A_942 = arith.maxsi %sub3A_939, %max3A_941 : vector<16xi32>
      %sub3A_943 = arith.constant 4 : i32
      %sub3A_944 = vector.broadcast %sub3A_943 : i32 to vector<16xi32>
      %sub3A_945 = arith.subi %iota3A, %sub3A_944 : vector<16xi32>
      %add3A_946 = arith.constant 1 : i32
      %add3A_947 = vector.broadcast %add3A_946 : i32 to vector<16xi32>
      %add3A_948 = arith.addi %sub3A_945, %add3A_947 : vector<16xi32>
      %max3A_949 = arith.constant 0 : i32
      %max3A_950 = vector.broadcast %max3A_949 : i32 to vector<16xi32>
      %max3A_951 = arith.maxsi %add3A_948, %max3A_950 : vector<16xi32>
      %min3A_952 = arith.constant 1 : i32
      %min3A_953 = vector.broadcast %min3A_952 : i32 to vector<16xi32>
      %min3A_954 = arith.minsi %min3A_953, %max3A_951 : vector<16xi32>
      %broadcast_in_dim3A_955 = vector.shape_cast %max3A_942 : vector<16xi32> to vector<16x1xi32>
      %gather3A_956 = vector.shape_cast %broadcast_in_dim3A_955 : vector<16x1xi32> to vector<16xi32>
      %gather3A_957 = tpu.dynamic_gather %add3A_936[%gather3A_956] in [0] : vector<16xi32>, vector<16xi32> -> vector<16xi32>
      %mul3A_958 = arith.muli %gather3A_957, %min3A_954 : vector<16xi32>
      %add3A_959 = arith.addi %add3A_936, %mul3A_958 : vector<16xi32>
      %sub3A_960 = arith.constant 8 : i32
      %sub3A_961 = vector.broadcast %sub3A_960 : i32 to vector<16xi32>
      %sub3A_962 = arith.subi %iota3A, %sub3A_961 : vector<16xi32>
      %max3A_963 = arith.constant 0 : i32
      %max3A_964 = vector.broadcast %max3A_963 : i32 to vector<16xi32>
      %max3A_965 = arith.maxsi %sub3A_962, %max3A_964 : vector<16xi32>
      %sub3A_966 = arith.constant 8 : i32
      %sub3A_967 = vector.broadcast %sub3A_966 : i32 to vector<16xi32>
      %sub3A_968 = arith.subi %iota3A, %sub3A_967 : vector<16xi32>
      %add3A_969 = arith.constant 1 : i32
      %add3A_970 = vector.broadcast %add3A_969 : i32 to vector<16xi32>
      %add3A_971 = arith.addi %sub3A_968, %add3A_970 : vector<16xi32>
      %max3A_972 = arith.constant 0 : i32
      %max3A_973 = vector.broadcast %max3A_972 : i32 to vector<16xi32>
      %max3A_974 = arith.maxsi %add3A_971, %max3A_973 : vector<16xi32>
      %min3A_975 = arith.constant 1 : i32
      %min3A_976 = vector.broadcast %min3A_975 : i32 to vector<16xi32>
      %min3A_977 = arith.minsi %min3A_976, %max3A_974 : vector<16xi32>
      %broadcast_in_dim3A_978 = vector.shape_cast %max3A_965 : vector<16xi32> to vector<16x1xi32>
      %gather3A_979 = vector.shape_cast %broadcast_in_dim3A_978 : vector<16x1xi32> to vector<16xi32>
      %gather3A_980 = tpu.dynamic_gather %add3A_959[%gather3A_979] in [0] : vector<16xi32>, vector<16xi32> -> vector<16xi32>
      %mul3A_981 = arith.muli %gather3A_980, %min3A_977 : vector<16xi32>
      %add3A_982 = arith.addi %add3A_959, %mul3A_981 : vector<16xi32>
      %and3A_983 = arith.constant 65535 : i32
      %and3A_984 = vector.broadcast %and3A_983 : i32 to vector<16xi32>
      %and3A_985 = arith.andi %add3A_982, %and3A_984 : vector<16xi32>
      %shift_right_logical3A_986 = arith.constant 16 : i32
      %shift_right_logical3A_987 = vector.broadcast %shift_right_logical3A_986 : i32 to vector<16xi32>
      %shift_right_logical3A_988 = arith.shrui %add3A_982, %shift_right_logical3A_987 : vector<16xi32>
      %add3A_989 = vector.broadcast %add3A_855 : i32 to vector<16xi32>
      %add3A_990 = arith.addi %add3A_989, %and3A_985 : vector<16xi32>
      %sub3A_991 = arith.subi %add3A_990, %max3A_877 : vector<16xi32>
      %add3A_992 = vector.broadcast %add3A_858 : i32 to vector<16xi32>
      %add3A_993 = arith.addi %add3A_992, %shift_right_logical3A_988 : vector<16xi32>
      %sub3A_994 = arith.subi %add3A_993, %max3A_886 : vector<16xi32>
      %min3A_995 = arith.constant 94 : i32
      %min3A_996 = vector.broadcast %min3A_995 : i32 to vector<16xi32>
      %min3A_997 = arith.minsi %sub3A_991, %min3A_996 : vector<16xi32>
      %mul3A_998 = arith.muli %min3A_997, %max3A_877 : vector<16xi32>
      %sub3A_999 = arith.constant 1 : i32
      %sub3A_1000 = vector.broadcast %sub3A_999 : i32 to vector<16xi32>
      %sub3A_1001 = arith.subi %sub3A_1000, %max3A_877 : vector<16xi32>
      %mul3A_1002 = arith.constant 95 : i32
      %mul3A_1003 = vector.broadcast %mul3A_1002 : i32 to vector<16xi32>
      %mul3A_1004 = arith.muli %mul3A_1003, %sub3A_1001 : vector<16xi32>
      %add3A_1005 = arith.addi %mul3A_998, %mul3A_1004 : vector<16xi32>
      %min3A_1006 = arith.constant 94 : i32
      %min3A_1007 = vector.broadcast %min3A_1006 : i32 to vector<16xi32>
      %min3A_1008 = arith.minsi %sub3A_994, %min3A_1007 : vector<16xi32>
      %mul3A_1009 = arith.muli %min3A_1008, %max3A_886 : vector<16xi32>
      %sub3A_1010 = arith.constant 1 : i32
      %sub3A_1011 = vector.broadcast %sub3A_1010 : i32 to vector<16xi32>
      %sub3A_1012 = arith.subi %sub3A_1011, %max3A_886 : vector<16xi32>
      %mul3A_1013 = arith.constant 95 : i32
      %mul3A_1014 = vector.broadcast %mul3A_1013 : i32 to vector<16xi32>
      %mul3A_1015 = arith.muli %mul3A_1014, %sub3A_1012 : vector<16xi32>
      %add3A_1016 = arith.addi %mul3A_1009, %mul3A_1015 : vector<16xi32>
      tpu.vector_store_idx %arg5[%add3A_1005], %add3A_868 : memref<96xi32, #tpu.memory_space<vmem>>[vector<16xi32>], vector<16xi32>,
      tpu.vector_store_idx %arg6[%add3A_1016], %add3A_868 : memref<96xi32, #tpu.memory_space<vmem>>[vector<16xi32>], vector<16xi32>,
      %slice3A_1017 = vector.extract_strided_slice %and3A_985 {offsets = [15], sizes = [1], strides = [1]} : vector<16xi32> to vector<1xi32>
      %squeeze3A_1018 = vector.extract %slice3A_1017[0] : i32 from vector<1xi32>
      %add3A_1019 = arith.addi %add3A_855, %squeeze3A_1018 : i32
      %slice3A_1020 = vector.extract_strided_slice %shift_right_logical3A_988 {offsets = [15], sizes = [1], strides = [1]} : vector<16xi32> to vector<1xi32>
      %squeeze3A_1021 = vector.extract %slice3A_1020[0] : i32 from vector<1xi32>
      %add3A_1022 = arith.addi %add3A_858, %squeeze3A_1021 : i32
      %scan3A_1023 = arith.constant 6 : i32
      %scan3A_1024 = arith.addi %scan3A_48, %scan3A_1023 : i32
      %mul3A_1025 = arith.constant 16 : i32
      %mul3A_1026 = arith.muli %scan3A_1024, %mul3A_1025 : i32
      %get3A_1027 = arith.index_cast %mul3A_1026 : i32 to index
      %get3A_1028 = tpu.vector_load %arg4[%get3A_1027] {strides = array<i32>} : memref<4096xi32, #tpu.memory_space<vmem>>, vector<16xi32>,
      %mul3A_1029 = arith.constant 16 : i32
      %mul3A_1030 = arith.muli %scan3A_1024, %mul3A_1029 : i32
      %add3A_1031 = vector.broadcast %mul3A_1030 : i32 to vector<16xi32>
      %add3A_1032 = arith.addi %iota3A, %add3A_1031 : vector<16xi32>
      %sub3A_1033 = vector.broadcast %mul3A_26 : i32 to vector<16xi32>
      %sub3A_1034 = arith.subi %get3A_1028, %sub3A_1033 : vector<16xi32>
      %abs3A_1035 = math.absi %sub3A_1034 : vector<16xi32>
      %sub3A_1036 = arith.constant 1 : i32
      %sub3A_1037 = vector.broadcast %sub3A_1036 : i32 to vector<16xi32>
      %sub3A_1038 = arith.subi %sub3A_1037, %abs3A_1035 : vector<16xi32>
      %max3A_1039 = arith.constant 0 : i32
      %max3A_1040 = vector.broadcast %max3A_1039 : i32 to vector<16xi32>
      %max3A_1041 = arith.maxsi %max3A_1040, %sub3A_1038 : vector<16xi32>
      %sub3A_1042 = vector.broadcast %add3A_30 : i32 to vector<16xi32>
      %sub3A_1043 = arith.subi %get3A_1028, %sub3A_1042 : vector<16xi32>
      %abs3A_1044 = math.absi %sub3A_1043 : vector<16xi32>
      %sub3A_1045 = arith.constant 1 : i32
      %sub3A_1046 = vector.broadcast %sub3A_1045 : i32 to vector<16xi32>
      %sub3A_1047 = arith.subi %sub3A_1046, %abs3A_1044 : vector<16xi32>
      %max3A_1048 = arith.constant 0 : i32
      %max3A_1049 = vector.broadcast %max3A_1048 : i32 to vector<16xi32>
      %max3A_1050 = arith.maxsi %max3A_1049, %sub3A_1047 : vector<16xi32>
      %mul3A_1051 = arith.constant 65536 : i32
      %mul3A_1052 = vector.broadcast %mul3A_1051 : i32 to vector<16xi32>
      %mul3A_1053 = arith.muli %max3A_1050, %mul3A_1052 : vector<16xi32>
      %add3A_1054 = arith.addi %max3A_1041, %mul3A_1053 : vector<16xi32>
      %sub3A_1055 = arith.constant 1 : i32
      %sub3A_1056 = vector.broadcast %sub3A_1055 : i32 to vector<16xi32>
      %sub3A_1057 = arith.subi %iota3A, %sub3A_1056 : vector<16xi32>
      %max3A_1058 = arith.constant 0 : i32
      %max3A_1059 = vector.broadcast %max3A_1058 : i32 to vector<16xi32>
      %max3A_1060 = arith.maxsi %sub3A_1057, %max3A_1059 : vector<16xi32>
      %sub3A_1061 = arith.constant 1 : i32
      %sub3A_1062 = vector.broadcast %sub3A_1061 : i32 to vector<16xi32>
      %sub3A_1063 = arith.subi %iota3A, %sub3A_1062 : vector<16xi32>
      %add3A_1064 = arith.constant 1 : i32
      %add3A_1065 = vector.broadcast %add3A_1064 : i32 to vector<16xi32>
      %add3A_1066 = arith.addi %sub3A_1063, %add3A_1065 : vector<16xi32>
      %max3A_1067 = arith.constant 0 : i32
      %max3A_1068 = vector.broadcast %max3A_1067 : i32 to vector<16xi32>
      %max3A_1069 = arith.maxsi %add3A_1066, %max3A_1068 : vector<16xi32>
      %min3A_1070 = arith.constant 1 : i32
      %min3A_1071 = vector.broadcast %min3A_1070 : i32 to vector<16xi32>
      %min3A_1072 = arith.minsi %min3A_1071, %max3A_1069 : vector<16xi32>
      %broadcast_in_dim3A_1073 = vector.shape_cast %max3A_1060 : vector<16xi32> to vector<16x1xi32>
      %gather3A_1074 = vector.shape_cast %broadcast_in_dim3A_1073 : vector<16x1xi32> to vector<16xi32>
      %gather3A_1075 = tpu.dynamic_gather %add3A_1054[%gather3A_1074] in [0] : vector<16xi32>, vector<16xi32> -> vector<16xi32>
      %mul3A_1076 = arith.muli %gather3A_1075, %min3A_1072 : vector<16xi32>
      %add3A_1077 = arith.addi %add3A_1054, %mul3A_1076 : vector<16xi32>
      %sub3A_1078 = arith.constant 2 : i32
      %sub3A_1079 = vector.broadcast %sub3A_1078 : i32 to vector<16xi32>
      %sub3A_1080 = arith.subi %iota3A, %sub3A_1079 : vector<16xi32>
      %max3A_1081 = arith.constant 0 : i32
      %max3A_1082 = vector.broadcast %max3A_1081 : i32 to vector<16xi32>
      %max3A_1083 = arith.maxsi %sub3A_1080, %max3A_1082 : vector<16xi32>
      %sub3A_1084 = arith.constant 2 : i32
      %sub3A_1085 = vector.broadcast %sub3A_1084 : i32 to vector<16xi32>
      %sub3A_1086 = arith.subi %iota3A, %sub3A_1085 : vector<16xi32>
      %add3A_1087 = arith.constant 1 : i32
      %add3A_1088 = vector.broadcast %add3A_1087 : i32 to vector<16xi32>
      %add3A_1089 = arith.addi %sub3A_1086, %add3A_1088 : vector<16xi32>
      %max3A_1090 = arith.constant 0 : i32
      %max3A_1091 = vector.broadcast %max3A_1090 : i32 to vector<16xi32>
      %max3A_1092 = arith.maxsi %add3A_1089, %max3A_1091 : vector<16xi32>
      %min3A_1093 = arith.constant 1 : i32
      %min3A_1094 = vector.broadcast %min3A_1093 : i32 to vector<16xi32>
      %min3A_1095 = arith.minsi %min3A_1094, %max3A_1092 : vector<16xi32>
      %broadcast_in_dim3A_1096 = vector.shape_cast %max3A_1083 : vector<16xi32> to vector<16x1xi32>
      %gather3A_1097 = vector.shape_cast %broadcast_in_dim3A_1096 : vector<16x1xi32> to vector<16xi32>
      %gather3A_1098 = tpu.dynamic_gather %add3A_1077[%gather3A_1097] in [0] : vector<16xi32>, vector<16xi32> -> vector<16xi32>
      %mul3A_1099 = arith.muli %gather3A_1098, %min3A_1095 : vector<16xi32>
      %add3A_1100 = arith.addi %add3A_1077, %mul3A_1099 : vector<16xi32>
      %sub3A_1101 = arith.constant 4 : i32
      %sub3A_1102 = vector.broadcast %sub3A_1101 : i32 to vector<16xi32>
      %sub3A_1103 = arith.subi %iota3A, %sub3A_1102 : vector<16xi32>
      %max3A_1104 = arith.constant 0 : i32
      %max3A_1105 = vector.broadcast %max3A_1104 : i32 to vector<16xi32>
      %max3A_1106 = arith.maxsi %sub3A_1103, %max3A_1105 : vector<16xi32>
      %sub3A_1107 = arith.constant 4 : i32
      %sub3A_1108 = vector.broadcast %sub3A_1107 : i32 to vector<16xi32>
      %sub3A_1109 = arith.subi %iota3A, %sub3A_1108 : vector<16xi32>
      %add3A_1110 = arith.constant 1 : i32
      %add3A_1111 = vector.broadcast %add3A_1110 : i32 to vector<16xi32>
      %add3A_1112 = arith.addi %sub3A_1109, %add3A_1111 : vector<16xi32>
      %max3A_1113 = arith.constant 0 : i32
      %max3A_1114 = vector.broadcast %max3A_1113 : i32 to vector<16xi32>
      %max3A_1115 = arith.maxsi %add3A_1112, %max3A_1114 : vector<16xi32>
      %min3A_1116 = arith.constant 1 : i32
      %min3A_1117 = vector.broadcast %min3A_1116 : i32 to vector<16xi32>
      %min3A_1118 = arith.minsi %min3A_1117, %max3A_1115 : vector<16xi32>
      %broadcast_in_dim3A_1119 = vector.shape_cast %max3A_1106 : vector<16xi32> to vector<16x1xi32>
      %gather3A_1120 = vector.shape_cast %broadcast_in_dim3A_1119 : vector<16x1xi32> to vector<16xi32>
      %gather3A_1121 = tpu.dynamic_gather %add3A_1100[%gather3A_1120] in [0] : vector<16xi32>, vector<16xi32> -> vector<16xi32>
      %mul3A_1122 = arith.muli %gather3A_1121, %min3A_1118 : vector<16xi32>
      %add3A_1123 = arith.addi %add3A_1100, %mul3A_1122 : vector<16xi32>
      %sub3A_1124 = arith.constant 8 : i32
      %sub3A_1125 = vector.broadcast %sub3A_1124 : i32 to vector<16xi32>
      %sub3A_1126 = arith.subi %iota3A, %sub3A_1125 : vector<16xi32>
      %max3A_1127 = arith.constant 0 : i32
      %max3A_1128 = vector.broadcast %max3A_1127 : i32 to vector<16xi32>
      %max3A_1129 = arith.maxsi %sub3A_1126, %max3A_1128 : vector<16xi32>
      %sub3A_1130 = arith.constant 8 : i32
      %sub3A_1131 = vector.broadcast %sub3A_1130 : i32 to vector<16xi32>
      %sub3A_1132 = arith.subi %iota3A, %sub3A_1131 : vector<16xi32>
      %add3A_1133 = arith.constant 1 : i32
      %add3A_1134 = vector.broadcast %add3A_1133 : i32 to vector<16xi32>
      %add3A_1135 = arith.addi %sub3A_1132, %add3A_1134 : vector<16xi32>
      %max3A_1136 = arith.constant 0 : i32
      %max3A_1137 = vector.broadcast %max3A_1136 : i32 to vector<16xi32>
      %max3A_1138 = arith.maxsi %add3A_1135, %max3A_1137 : vector<16xi32>
      %min3A_1139 = arith.constant 1 : i32
      %min3A_1140 = vector.broadcast %min3A_1139 : i32 to vector<16xi32>
      %min3A_1141 = arith.minsi %min3A_1140, %max3A_1138 : vector<16xi32>
      %broadcast_in_dim3A_1142 = vector.shape_cast %max3A_1129 : vector<16xi32> to vector<16x1xi32>
      %gather3A_1143 = vector.shape_cast %broadcast_in_dim3A_1142 : vector<16x1xi32> to vector<16xi32>
      %gather3A_1144 = tpu.dynamic_gather %add3A_1123[%gather3A_1143] in [0] : vector<16xi32>, vector<16xi32> -> vector<16xi32>
      %mul3A_1145 = arith.muli %gather3A_1144, %min3A_1141 : vector<16xi32>
      %add3A_1146 = arith.addi %add3A_1123, %mul3A_1145 : vector<16xi32>
      %and3A_1147 = arith.constant 65535 : i32
      %and3A_1148 = vector.broadcast %and3A_1147 : i32 to vector<16xi32>
      %and3A_1149 = arith.andi %add3A_1146, %and3A_1148 : vector<16xi32>
      %shift_right_logical3A_1150 = arith.constant 16 : i32
      %shift_right_logical3A_1151 = vector.broadcast %shift_right_logical3A_1150 : i32 to vector<16xi32>
      %shift_right_logical3A_1152 = arith.shrui %add3A_1146, %shift_right_logical3A_1151 : vector<16xi32>
      %add3A_1153 = vector.broadcast %add3A_1019 : i32 to vector<16xi32>
      %add3A_1154 = arith.addi %add3A_1153, %and3A_1149 : vector<16xi32>
      %sub3A_1155 = arith.subi %add3A_1154, %max3A_1041 : vector<16xi32>
      %add3A_1156 = vector.broadcast %add3A_1022 : i32 to vector<16xi32>
      %add3A_1157 = arith.addi %add3A_1156, %shift_right_logical3A_1152 : vector<16xi32>
      %sub3A_1158 = arith.subi %add3A_1157, %max3A_1050 : vector<16xi32>
      %min3A_1159 = arith.constant 94 : i32
      %min3A_1160 = vector.broadcast %min3A_1159 : i32 to vector<16xi32>
      %min3A_1161 = arith.minsi %sub3A_1155, %min3A_1160 : vector<16xi32>
      %mul3A_1162 = arith.muli %min3A_1161, %max3A_1041 : vector<16xi32>
      %sub3A_1163 = arith.constant 1 : i32
      %sub3A_1164 = vector.broadcast %sub3A_1163 : i32 to vector<16xi32>
      %sub3A_1165 = arith.subi %sub3A_1164, %max3A_1041 : vector<16xi32>
      %mul3A_1166 = arith.constant 95 : i32
      %mul3A_1167 = vector.broadcast %mul3A_1166 : i32 to vector<16xi32>
      %mul3A_1168 = arith.muli %mul3A_1167, %sub3A_1165 : vector<16xi32>
      %add3A_1169 = arith.addi %mul3A_1162, %mul3A_1168 : vector<16xi32>
      %min3A_1170 = arith.constant 94 : i32
      %min3A_1171 = vector.broadcast %min3A_1170 : i32 to vector<16xi32>
      %min3A_1172 = arith.minsi %sub3A_1158, %min3A_1171 : vector<16xi32>
      %mul3A_1173 = arith.muli %min3A_1172, %max3A_1050 : vector<16xi32>
      %sub3A_1174 = arith.constant 1 : i32
      %sub3A_1175 = vector.broadcast %sub3A_1174 : i32 to vector<16xi32>
      %sub3A_1176 = arith.subi %sub3A_1175, %max3A_1050 : vector<16xi32>
      %mul3A_1177 = arith.constant 95 : i32
      %mul3A_1178 = vector.broadcast %mul3A_1177 : i32 to vector<16xi32>
      %mul3A_1179 = arith.muli %mul3A_1178, %sub3A_1176 : vector<16xi32>
      %add3A_1180 = arith.addi %mul3A_1173, %mul3A_1179 : vector<16xi32>
      tpu.vector_store_idx %arg5[%add3A_1169], %add3A_1032 : memref<96xi32, #tpu.memory_space<vmem>>[vector<16xi32>], vector<16xi32>,
      tpu.vector_store_idx %arg6[%add3A_1180], %add3A_1032 : memref<96xi32, #tpu.memory_space<vmem>>[vector<16xi32>], vector<16xi32>,
      %slice3A_1181 = vector.extract_strided_slice %and3A_1149 {offsets = [15], sizes = [1], strides = [1]} : vector<16xi32> to vector<1xi32>
      %squeeze3A_1182 = vector.extract %slice3A_1181[0] : i32 from vector<1xi32>
      %add3A_1183 = arith.addi %add3A_1019, %squeeze3A_1182 : i32
      %slice3A_1184 = vector.extract_strided_slice %shift_right_logical3A_1152 {offsets = [15], sizes = [1], strides = [1]} : vector<16xi32> to vector<1xi32>
      %squeeze3A_1185 = vector.extract %slice3A_1184[0] : i32 from vector<1xi32>
      %add3A_1186 = arith.addi %add3A_1022, %squeeze3A_1185 : i32
      %scan3A_1187 = arith.constant 7 : i32
      %scan3A_1188 = arith.addi %scan3A_48, %scan3A_1187 : i32
      %mul3A_1189 = arith.constant 16 : i32
      %mul3A_1190 = arith.muli %scan3A_1188, %mul3A_1189 : i32
      %get3A_1191 = arith.index_cast %mul3A_1190 : i32 to index
      %get3A_1192 = tpu.vector_load %arg4[%get3A_1191] {strides = array<i32>} : memref<4096xi32, #tpu.memory_space<vmem>>, vector<16xi32>,
      %mul3A_1193 = arith.constant 16 : i32
      %mul3A_1194 = arith.muli %scan3A_1188, %mul3A_1193 : i32
      %add3A_1195 = vector.broadcast %mul3A_1194 : i32 to vector<16xi32>
      %add3A_1196 = arith.addi %iota3A, %add3A_1195 : vector<16xi32>
      %sub3A_1197 = vector.broadcast %mul3A_26 : i32 to vector<16xi32>
      %sub3A_1198 = arith.subi %get3A_1192, %sub3A_1197 : vector<16xi32>
      %abs3A_1199 = math.absi %sub3A_1198 : vector<16xi32>
      %sub3A_1200 = arith.constant 1 : i32
      %sub3A_1201 = vector.broadcast %sub3A_1200 : i32 to vector<16xi32>
      %sub3A_1202 = arith.subi %sub3A_1201, %abs3A_1199 : vector<16xi32>
      %max3A_1203 = arith.constant 0 : i32
      %max3A_1204 = vector.broadcast %max3A_1203 : i32 to vector<16xi32>
      %max3A_1205 = arith.maxsi %max3A_1204, %sub3A_1202 : vector<16xi32>
      %sub3A_1206 = vector.broadcast %add3A_30 : i32 to vector<16xi32>
      %sub3A_1207 = arith.subi %get3A_1192, %sub3A_1206 : vector<16xi32>
      %abs3A_1208 = math.absi %sub3A_1207 : vector<16xi32>
      %sub3A_1209 = arith.constant 1 : i32
      %sub3A_1210 = vector.broadcast %sub3A_1209 : i32 to vector<16xi32>
      %sub3A_1211 = arith.subi %sub3A_1210, %abs3A_1208 : vector<16xi32>
      %max3A_1212 = arith.constant 0 : i32
      %max3A_1213 = vector.broadcast %max3A_1212 : i32 to vector<16xi32>
      %max3A_1214 = arith.maxsi %max3A_1213, %sub3A_1211 : vector<16xi32>
      %mul3A_1215 = arith.constant 65536 : i32
      %mul3A_1216 = vector.broadcast %mul3A_1215 : i32 to vector<16xi32>
      %mul3A_1217 = arith.muli %max3A_1214, %mul3A_1216 : vector<16xi32>
      %add3A_1218 = arith.addi %max3A_1205, %mul3A_1217 : vector<16xi32>
      %sub3A_1219 = arith.constant 1 : i32
      %sub3A_1220 = vector.broadcast %sub3A_1219 : i32 to vector<16xi32>
      %sub3A_1221 = arith.subi %iota3A, %sub3A_1220 : vector<16xi32>
      %max3A_1222 = arith.constant 0 : i32
      %max3A_1223 = vector.broadcast %max3A_1222 : i32 to vector<16xi32>
      %max3A_1224 = arith.maxsi %sub3A_1221, %max3A_1223 : vector<16xi32>
      %sub3A_1225 = arith.constant 1 : i32
      %sub3A_1226 = vector.broadcast %sub3A_1225 : i32 to vector<16xi32>
      %sub3A_1227 = arith.subi %iota3A, %sub3A_1226 : vector<16xi32>
      %add3A_1228 = arith.constant 1 : i32
      %add3A_1229 = vector.broadcast %add3A_1228 : i32 to vector<16xi32>
      %add3A_1230 = arith.addi %sub3A_1227, %add3A_1229 : vector<16xi32>
      %max3A_1231 = arith.constant 0 : i32
      %max3A_1232 = vector.broadcast %max3A_1231 : i32 to vector<16xi32>
      %max3A_1233 = arith.maxsi %add3A_1230, %max3A_1232 : vector<16xi32>
      %min3A_1234 = arith.constant 1 : i32
      %min3A_1235 = vector.broadcast %min3A_1234 : i32 to vector<16xi32>
      %min3A_1236 = arith.minsi %min3A_1235, %max3A_1233 : vector<16xi32>
      %broadcast_in_dim3A_1237 = vector.shape_cast %max3A_1224 : vector<16xi32> to vector<16x1xi32>
      %gather3A_1238 = vector.shape_cast %broadcast_in_dim3A_1237 : vector<16x1xi32> to vector<16xi32>
      %gather3A_1239 = tpu.dynamic_gather %add3A_1218[%gather3A_1238] in [0] : vector<16xi32>, vector<16xi32> -> vector<16xi32>
      %mul3A_1240 = arith.muli %gather3A_1239, %min3A_1236 : vector<16xi32>
      %add3A_1241 = arith.addi %add3A_1218, %mul3A_1240 : vector<16xi32>
      %sub3A_1242 = arith.constant 2 : i32
      %sub3A_1243 = vector.broadcast %sub3A_1242 : i32 to vector<16xi32>
      %sub3A_1244 = arith.subi %iota3A, %sub3A_1243 : vector<16xi32>
      %max3A_1245 = arith.constant 0 : i32
      %max3A_1246 = vector.broadcast %max3A_1245 : i32 to vector<16xi32>
      %max3A_1247 = arith.maxsi %sub3A_1244, %max3A_1246 : vector<16xi32>
      %sub3A_1248 = arith.constant 2 : i32
      %sub3A_1249 = vector.broadcast %sub3A_1248 : i32 to vector<16xi32>
      %sub3A_1250 = arith.subi %iota3A, %sub3A_1249 : vector<16xi32>
      %add3A_1251 = arith.constant 1 : i32
      %add3A_1252 = vector.broadcast %add3A_1251 : i32 to vector<16xi32>
      %add3A_1253 = arith.addi %sub3A_1250, %add3A_1252 : vector<16xi32>
      %max3A_1254 = arith.constant 0 : i32
      %max3A_1255 = vector.broadcast %max3A_1254 : i32 to vector<16xi32>
      %max3A_1256 = arith.maxsi %add3A_1253, %max3A_1255 : vector<16xi32>
      %min3A_1257 = arith.constant 1 : i32
      %min3A_1258 = vector.broadcast %min3A_1257 : i32 to vector<16xi32>
      %min3A_1259 = arith.minsi %min3A_1258, %max3A_1256 : vector<16xi32>
      %broadcast_in_dim3A_1260 = vector.shape_cast %max3A_1247 : vector<16xi32> to vector<16x1xi32>
      %gather3A_1261 = vector.shape_cast %broadcast_in_dim3A_1260 : vector<16x1xi32> to vector<16xi32>
      %gather3A_1262 = tpu.dynamic_gather %add3A_1241[%gather3A_1261] in [0] : vector<16xi32>, vector<16xi32> -> vector<16xi32>
      %mul3A_1263 = arith.muli %gather3A_1262, %min3A_1259 : vector<16xi32>
      %add3A_1264 = arith.addi %add3A_1241, %mul3A_1263 : vector<16xi32>
      %sub3A_1265 = arith.constant 4 : i32
      %sub3A_1266 = vector.broadcast %sub3A_1265 : i32 to vector<16xi32>
      %sub3A_1267 = arith.subi %iota3A, %sub3A_1266 : vector<16xi32>
      %max3A_1268 = arith.constant 0 : i32
      %max3A_1269 = vector.broadcast %max3A_1268 : i32 to vector<16xi32>
      %max3A_1270 = arith.maxsi %sub3A_1267, %max3A_1269 : vector<16xi32>
      %sub3A_1271 = arith.constant 4 : i32
      %sub3A_1272 = vector.broadcast %sub3A_1271 : i32 to vector<16xi32>
      %sub3A_1273 = arith.subi %iota3A, %sub3A_1272 : vector<16xi32>
      %add3A_1274 = arith.constant 1 : i32
      %add3A_1275 = vector.broadcast %add3A_1274 : i32 to vector<16xi32>
      %add3A_1276 = arith.addi %sub3A_1273, %add3A_1275 : vector<16xi32>
      %max3A_1277 = arith.constant 0 : i32
      %max3A_1278 = vector.broadcast %max3A_1277 : i32 to vector<16xi32>
      %max3A_1279 = arith.maxsi %add3A_1276, %max3A_1278 : vector<16xi32>
      %min3A_1280 = arith.constant 1 : i32
      %min3A_1281 = vector.broadcast %min3A_1280 : i32 to vector<16xi32>
      %min3A_1282 = arith.minsi %min3A_1281, %max3A_1279 : vector<16xi32>
      %broadcast_in_dim3A_1283 = vector.shape_cast %max3A_1270 : vector<16xi32> to vector<16x1xi32>
      %gather3A_1284 = vector.shape_cast %broadcast_in_dim3A_1283 : vector<16x1xi32> to vector<16xi32>
      %gather3A_1285 = tpu.dynamic_gather %add3A_1264[%gather3A_1284] in [0] : vector<16xi32>, vector<16xi32> -> vector<16xi32>
      %mul3A_1286 = arith.muli %gather3A_1285, %min3A_1282 : vector<16xi32>
      %add3A_1287 = arith.addi %add3A_1264, %mul3A_1286 : vector<16xi32>
      %sub3A_1288 = arith.constant 8 : i32
      %sub3A_1289 = vector.broadcast %sub3A_1288 : i32 to vector<16xi32>
      %sub3A_1290 = arith.subi %iota3A, %sub3A_1289 : vector<16xi32>
      %max3A_1291 = arith.constant 0 : i32
      %max3A_1292 = vector.broadcast %max3A_1291 : i32 to vector<16xi32>
      %max3A_1293 = arith.maxsi %sub3A_1290, %max3A_1292 : vector<16xi32>
      %sub3A_1294 = arith.constant 8 : i32
      %sub3A_1295 = vector.broadcast %sub3A_1294 : i32 to vector<16xi32>
      %sub3A_1296 = arith.subi %iota3A, %sub3A_1295 : vector<16xi32>
      %add3A_1297 = arith.constant 1 : i32
      %add3A_1298 = vector.broadcast %add3A_1297 : i32 to vector<16xi32>
      %add3A_1299 = arith.addi %sub3A_1296, %add3A_1298 : vector<16xi32>
      %max3A_1300 = arith.constant 0 : i32
      %max3A_1301 = vector.broadcast %max3A_1300 : i32 to vector<16xi32>
      %max3A_1302 = arith.maxsi %add3A_1299, %max3A_1301 : vector<16xi32>
      %min3A_1303 = arith.constant 1 : i32
      %min3A_1304 = vector.broadcast %min3A_1303 : i32 to vector<16xi32>
      %min3A_1305 = arith.minsi %min3A_1304, %max3A_1302 : vector<16xi32>
      %broadcast_in_dim3A_1306 = vector.shape_cast %max3A_1293 : vector<16xi32> to vector<16x1xi32>
      %gather3A_1307 = vector.shape_cast %broadcast_in_dim3A_1306 : vector<16x1xi32> to vector<16xi32>
      %gather3A_1308 = tpu.dynamic_gather %add3A_1287[%gather3A_1307] in [0] : vector<16xi32>, vector<16xi32> -> vector<16xi32>
      %mul3A_1309 = arith.muli %gather3A_1308, %min3A_1305 : vector<16xi32>
      %add3A_1310 = arith.addi %add3A_1287, %mul3A_1309 : vector<16xi32>
      %and3A_1311 = arith.constant 65535 : i32
      %and3A_1312 = vector.broadcast %and3A_1311 : i32 to vector<16xi32>
      %and3A_1313 = arith.andi %add3A_1310, %and3A_1312 : vector<16xi32>
      %shift_right_logical3A_1314 = arith.constant 16 : i32
      %shift_right_logical3A_1315 = vector.broadcast %shift_right_logical3A_1314 : i32 to vector<16xi32>
      %shift_right_logical3A_1316 = arith.shrui %add3A_1310, %shift_right_logical3A_1315 : vector<16xi32>
      %add3A_1317 = vector.broadcast %add3A_1183 : i32 to vector<16xi32>
      %add3A_1318 = arith.addi %add3A_1317, %and3A_1313 : vector<16xi32>
      %sub3A_1319 = arith.subi %add3A_1318, %max3A_1205 : vector<16xi32>
      %add3A_1320 = vector.broadcast %add3A_1186 : i32 to vector<16xi32>
      %add3A_1321 = arith.addi %add3A_1320, %shift_right_logical3A_1316 : vector<16xi32>
      %sub3A_1322 = arith.subi %add3A_1321, %max3A_1214 : vector<16xi32>
      %min3A_1323 = arith.constant 94 : i32
      %min3A_1324 = vector.broadcast %min3A_1323 : i32 to vector<16xi32>
      %min3A_1325 = arith.minsi %sub3A_1319, %min3A_1324 : vector<16xi32>
      %mul3A_1326 = arith.muli %min3A_1325, %max3A_1205 : vector<16xi32>
      %sub3A_1327 = arith.constant 1 : i32
      %sub3A_1328 = vector.broadcast %sub3A_1327 : i32 to vector<16xi32>
      %sub3A_1329 = arith.subi %sub3A_1328, %max3A_1205 : vector<16xi32>
      %mul3A_1330 = arith.constant 95 : i32
      %mul3A_1331 = vector.broadcast %mul3A_1330 : i32 to vector<16xi32>
      %mul3A_1332 = arith.muli %mul3A_1331, %sub3A_1329 : vector<16xi32>
      %add3A_1333 = arith.addi %mul3A_1326, %mul3A_1332 : vector<16xi32>
      %min3A_1334 = arith.constant 94 : i32
      %min3A_1335 = vector.broadcast %min3A_1334 : i32 to vector<16xi32>
      %min3A_1336 = arith.minsi %sub3A_1322, %min3A_1335 : vector<16xi32>
      %mul3A_1337 = arith.muli %min3A_1336, %max3A_1214 : vector<16xi32>
      %sub3A_1338 = arith.constant 1 : i32
      %sub3A_1339 = vector.broadcast %sub3A_1338 : i32 to vector<16xi32>
      %sub3A_1340 = arith.subi %sub3A_1339, %max3A_1214 : vector<16xi32>
      %mul3A_1341 = arith.constant 95 : i32
      %mul3A_1342 = vector.broadcast %mul3A_1341 : i32 to vector<16xi32>
      %mul3A_1343 = arith.muli %mul3A_1342, %sub3A_1340 : vector<16xi32>
      %add3A_1344 = arith.addi %mul3A_1337, %mul3A_1343 : vector<16xi32>
      tpu.vector_store_idx %arg5[%add3A_1333], %add3A_1196 : memref<96xi32, #tpu.memory_space<vmem>>[vector<16xi32>], vector<16xi32>,
      tpu.vector_store_idx %arg6[%add3A_1344], %add3A_1196 : memref<96xi32, #tpu.memory_space<vmem>>[vector<16xi32>], vector<16xi32>,
      %slice3A_1345 = vector.extract_strided_slice %and3A_1313 {offsets = [15], sizes = [1], strides = [1]} : vector<16xi32> to vector<1xi32>
      %squeeze3A_1346 = vector.extract %slice3A_1345[0] : i32 from vector<1xi32>
      %add3A_1347 = arith.addi %add3A_1183, %squeeze3A_1346 : i32
      %slice3A_1348 = vector.extract_strided_slice %shift_right_logical3A_1316 {offsets = [15], sizes = [1], strides = [1]} : vector<16xi32> to vector<1xi32>
      %squeeze3A_1349 = vector.extract %slice3A_1348[0] : i32 from vector<1xi32>
      %add3A_1350 = arith.addi %add3A_1186, %squeeze3A_1349 : i32
      scf.yield %add3A_1347, %add3A_1350 : i32, i32
    }
    %scan3A_37 = arith.constant 256 : i32
    %mul3A_38 = arith.constant 2 : i32
    %mul3A_39 = arith.muli %add3A, %mul3A_38 : i32
    %mul3A_40 = arith.constant 64 : i32
    %mul3A_41 = arith.muli %mul3A_39, %mul3A_40 : i32
    "tpu.region"() ({
      %run_scoped3A = tpu.sem_alloc : memref<!tpu.dma_semaphore, #tpu.memory_space<semaphore_mem>>
      %dma_start3A = arith.constant 0 : i32
      %dma_start3A_48 = tpu.memref_slice %arg5[%dma_start3A] : memref<96xi32, #tpu.memory_space<vmem>> -> memref<64xi32, #tpu.memory_space<vmem>>
      %dma_start3A_49 = tpu.memref_slice %arg3[%mul3A_41] : memref<4096xi32, #tpu.memory_space<hbm>> -> memref<64xi32, #tpu.memory_space<hbm>>
      %dma_start3A_50 = tpu.memref_slice %arg3[%mul3A_41] : memref<4096xi32, #tpu.memory_space<hbm>> -> memref<64xi32, #tpu.memory_space<hbm>>
      %dma_start3A_51 = arith.constant 0 : i32
      %dma_start3A_52 = tpu.memref_slice %arg5[%dma_start3A_51] : memref<96xi32, #tpu.memory_space<vmem>> -> memref<64xi32, #tpu.memory_space<vmem>>
      tpu.enqueue_dma source(%dma_start3A_52 : memref<64xi32, #tpu.memory_space<vmem>>) target(%dma_start3A_50 : memref<64xi32, #tpu.memory_space<hbm>>) target_semaphore(%run_scoped3A : memref<!tpu.dma_semaphore, #tpu.memory_space<semaphore_mem>>)
      %dma_wait3A = arith.constant 0 : i32
      %dma_wait3A_53 = tpu.memref_slice %arg5[%dma_wait3A] : memref<96xi32, #tpu.memory_space<vmem>> -> memref<64xi32, #tpu.memory_space<vmem>>
      %dma_wait3A_54 = tpu.memref_slice %arg3[%mul3A_41] : memref<4096xi32, #tpu.memory_space<hbm>> -> memref<64xi32, #tpu.memory_space<hbm>>
      %dma_wait3A_55 = tpu.memref_slice %arg3[%mul3A_41] : memref<4096xi32, #tpu.memory_space<hbm>> -> memref<64xi32, #tpu.memory_space<hbm>>
      %dma_wait3A_56 = arith.constant 0 : i32
      %dma_wait3A_57 = tpu.memref_slice %arg5[%dma_wait3A_56] : memref<96xi32, #tpu.memory_space<vmem>> -> memref<64xi32, #tpu.memory_space<vmem>>
      tpu.wait_dma2 semaphore(%run_scoped3A : memref<!tpu.dma_semaphore, #tpu.memory_space<semaphore_mem>>) src(%dma_wait3A_57 : memref<64xi32, #tpu.memory_space<vmem>>) dst(%dma_wait3A_55 : memref<64xi32, #tpu.memory_space<hbm>>)
      tpu.yield
    }) : () -> ()
    %mul3A_42 = arith.constant 2 : i32
    %mul3A_43 = arith.muli %add3A, %mul3A_42 : i32
    %add3A_44 = arith.constant 1 : i32
    %add3A_45 = arith.addi %mul3A_43, %add3A_44 : i32
    %mul3A_46 = arith.constant 64 : i32
    %mul3A_47 = arith.muli %add3A_45, %mul3A_46 : i32
    "tpu.region"() ({
      %run_scoped3A = tpu.sem_alloc : memref<!tpu.dma_semaphore, #tpu.memory_space<semaphore_mem>>
      %dma_start3A = arith.constant 0 : i32
      %dma_start3A_48 = tpu.memref_slice %arg6[%dma_start3A] : memref<96xi32, #tpu.memory_space<vmem>> -> memref<64xi32, #tpu.memory_space<vmem>>
      %dma_start3A_49 = tpu.memref_slice %arg3[%mul3A_47] : memref<4096xi32, #tpu.memory_space<hbm>> -> memref<64xi32, #tpu.memory_space<hbm>>
      %dma_start3A_50 = tpu.memref_slice %arg3[%mul3A_47] : memref<4096xi32, #tpu.memory_space<hbm>> -> memref<64xi32, #tpu.memory_space<hbm>>
      %dma_start3A_51 = arith.constant 0 : i32
      %dma_start3A_52 = tpu.memref_slice %arg6[%dma_start3A_51] : memref<96xi32, #tpu.memory_space<vmem>> -> memref<64xi32, #tpu.memory_space<vmem>>
      tpu.enqueue_dma source(%dma_start3A_52 : memref<64xi32, #tpu.memory_space<vmem>>) target(%dma_start3A_50 : memref<64xi32, #tpu.memory_space<hbm>>) target_semaphore(%run_scoped3A : memref<!tpu.dma_semaphore, #tpu.memory_space<semaphore_mem>>)
      %dma_wait3A = arith.constant 0 : i32
      %dma_wait3A_53 = tpu.memref_slice %arg6[%dma_wait3A] : memref<96xi32, #tpu.memory_space<vmem>> -> memref<64xi32, #tpu.memory_space<vmem>>
      %dma_wait3A_54 = tpu.memref_slice %arg3[%mul3A_47] : memref<4096xi32, #tpu.memory_space<hbm>> -> memref<64xi32, #tpu.memory_space<hbm>>
      %dma_wait3A_55 = tpu.memref_slice %arg3[%mul3A_47] : memref<4096xi32, #tpu.memory_space<hbm>> -> memref<64xi32, #tpu.memory_space<hbm>>
      %dma_wait3A_56 = arith.constant 0 : i32
      %dma_wait3A_57 = tpu.memref_slice %arg6[%dma_wait3A_56] : memref<96xi32, #tpu.memory_space<vmem>> -> memref<64xi32, #tpu.memory_space<vmem>>
      tpu.wait_dma2 semaphore(%run_scoped3A : memref<!tpu.dma_semaphore, #tpu.memory_space<semaphore_mem>>) src(%dma_wait3A_57 : memref<64xi32, #tpu.memory_space<vmem>>) dst(%dma_wait3A_55 : memref<64xi32, #tpu.memory_space<hbm>>)
      tpu.yield
    }) : () -> ()
    return
  }
}

module attributes {stable_mosaic.version = 14 : i64} {
  func.func @_ffn_body(%arg0: i32, %arg1: memref<1x1x64xi32, #tpu.memory_space<smem>>, %arg2: memref<4096x768xf32, #tpu.memory_space<vmem>>, %arg3: memref<1x768x3072xf32, #tpu.memory_space<vmem>>, %arg4: memref<1x1x3072xf32, #tpu.memory_space<vmem>>, %arg5: memref<1x3072x768xf32, #tpu.memory_space<vmem>>, %arg6: memref<1x1x768xf32, #tpu.memory_space<vmem>>, %arg7: memref<4096x768xf32, #tpu.memory_space<vmem>>, %arg8: memref<64x768xf32, #tpu.memory_space<vmem>>, %arg9: memref<64x768xf32, #tpu.memory_space<vmem>>) attributes {dimension_semantics = [#tpu.dimension_semantics<arbitrary>], iteration_bounds = array<i64: 64>, scalar_prefetch = 0 : i64, scratch_operands = 2 : i64, tpu.core_type = #tpu.core_type<tc>, window_params = [{transform_indices = @transform_0, window_bounds = array<i64: 1, 1, 64>}, {pipeline_mode = #tpu.pipeline_mode<synchronous>, transform_indices = @transform_1, window_bounds = array<i64: 4096, 768>}, {transform_indices = @transform_2, window_bounds = array<i64: 1, 768, 3072>}, {transform_indices = @transform_3, window_bounds = array<i64: 1, 1, 3072>}, {transform_indices = @transform_4, window_bounds = array<i64: 1, 3072, 768>}, {transform_indices = @transform_5, window_bounds = array<i64: 1, 1, 768>}, {pipeline_mode = #tpu.pipeline_mode<synchronous>, transform_indices = @transform_6, window_bounds = array<i64: 4096, 768>}]} {
    %eq3A = arith.constant 0 : i32
    %eq3A_0 = arith.cmpi eq, %arg0, %eq3A : i32
    %convert_element_type3A = arith.extui %eq3A_0 : i1 to i32
    %cond3A = arith.constant 0 : i32
    %cond3A_1 = arith.cmpi ne, %convert_element_type3A, %cond3A : i32
    scf.if %cond3A_1 {
      %broadcast_in_dim3A = arith.constant 0.000000e+00 : f32
      %broadcast_in_dim3A_47 = vector.broadcast %broadcast_in_dim3A : f32 to vector<4096x768xf32>
      %swap3A_48 = arith.constant 0 : index
      %swap3A_49 = arith.constant 0 : index
      %swap3A_50 = vector.load %arg7[%swap3A_48, %swap3A_49] : memref<4096x768xf32, #tpu.memory_space<vmem>>, vector<4096x768xf32>
      tpu.vector_store %arg7[%swap3A_48, %swap3A_49], %broadcast_in_dim3A_47 {strides = array<i32>} : memref<4096x768xf32, #tpu.memory_space<vmem>>, vector<4096x768xf32>,
    } else {
    }
    %scan3A = arith.constant 0 : i32
    %scan3A_2 = arith.constant 64 : i32
    %scan3A_3 = arith.addi %scan3A, %scan3A_2 : i32
    %scan3A_4 = arith.constant 16 : i32
    scf.for %scan3A_47 = %scan3A to %scan3A_3 step %scan3A_4  : i32 {
      %get3A_48 = arith.constant 0 : index
      %get3A_49 = arith.constant 0 : index
      %get3A_50 = arith.index_cast %scan3A_47 : i32 to index
      %get3A_51 = memref.load %arg1[%get3A_48, %get3A_49, %get3A_50] : memref<1x1x64xi32, #tpu.memory_space<smem>>
      %max3A_52 = arith.constant 0 : i32
      %max3A_53 = arith.maxsi %get3A_51, %max3A_52 : i32
      %get3A_54 = arith.index_cast %max3A_53 : i32 to index
      %get3A_55 = arith.constant 0 : index
      %get3A_56 = vector.load %arg2[%get3A_54, %get3A_55] : memref<4096x768xf32, #tpu.memory_space<vmem>>, vector<1x768xf32>
      %swap3A_57 = arith.index_cast %scan3A_47 : i32 to index
      %swap3A_58 = arith.constant 0 : index
      %swap3A_59 = vector.load %arg8[%swap3A_57, %swap3A_58] : memref<64x768xf32, #tpu.memory_space<vmem>>, vector<1x768xf32>
      tpu.vector_store %arg8[%swap3A_57, %swap3A_58], %get3A_56 {strides = array<i32>} : memref<64x768xf32, #tpu.memory_space<vmem>>, vector<1x768xf32>,
      %scan3A_60 = arith.constant 1 : i32
      %scan3A_61 = arith.addi %scan3A_47, %scan3A_60 : i32
      %get3A_62 = arith.constant 0 : index
      %get3A_63 = arith.constant 0 : index
      %get3A_64 = arith.index_cast %scan3A_61 : i32 to index
      %get3A_65 = memref.load %arg1[%get3A_62, %get3A_63, %get3A_64] : memref<1x1x64xi32, #tpu.memory_space<smem>>
      %max3A_66 = arith.constant 0 : i32
      %max3A_67 = arith.maxsi %get3A_65, %max3A_66 : i32
      %get3A_68 = arith.index_cast %max3A_67 : i32 to index
      %get3A_69 = arith.constant 0 : index
      %get3A_70 = vector.load %arg2[%get3A_68, %get3A_69] : memref<4096x768xf32, #tpu.memory_space<vmem>>, vector<1x768xf32>
      %swap3A_71 = arith.index_cast %scan3A_61 : i32 to index
      %swap3A_72 = arith.constant 0 : index
      %swap3A_73 = vector.load %arg8[%swap3A_71, %swap3A_72] : memref<64x768xf32, #tpu.memory_space<vmem>>, vector<1x768xf32>
      tpu.vector_store %arg8[%swap3A_71, %swap3A_72], %get3A_70 {strides = array<i32>} : memref<64x768xf32, #tpu.memory_space<vmem>>, vector<1x768xf32>,
      %scan3A_74 = arith.constant 2 : i32
      %scan3A_75 = arith.addi %scan3A_47, %scan3A_74 : i32
      %get3A_76 = arith.constant 0 : index
      %get3A_77 = arith.constant 0 : index
      %get3A_78 = arith.index_cast %scan3A_75 : i32 to index
      %get3A_79 = memref.load %arg1[%get3A_76, %get3A_77, %get3A_78] : memref<1x1x64xi32, #tpu.memory_space<smem>>
      %max3A_80 = arith.constant 0 : i32
      %max3A_81 = arith.maxsi %get3A_79, %max3A_80 : i32
      %get3A_82 = arith.index_cast %max3A_81 : i32 to index
      %get3A_83 = arith.constant 0 : index
      %get3A_84 = vector.load %arg2[%get3A_82, %get3A_83] : memref<4096x768xf32, #tpu.memory_space<vmem>>, vector<1x768xf32>
      %swap3A_85 = arith.index_cast %scan3A_75 : i32 to index
      %swap3A_86 = arith.constant 0 : index
      %swap3A_87 = vector.load %arg8[%swap3A_85, %swap3A_86] : memref<64x768xf32, #tpu.memory_space<vmem>>, vector<1x768xf32>
      tpu.vector_store %arg8[%swap3A_85, %swap3A_86], %get3A_84 {strides = array<i32>} : memref<64x768xf32, #tpu.memory_space<vmem>>, vector<1x768xf32>,
      %scan3A_88 = arith.constant 3 : i32
      %scan3A_89 = arith.addi %scan3A_47, %scan3A_88 : i32
      %get3A_90 = arith.constant 0 : index
      %get3A_91 = arith.constant 0 : index
      %get3A_92 = arith.index_cast %scan3A_89 : i32 to index
      %get3A_93 = memref.load %arg1[%get3A_90, %get3A_91, %get3A_92] : memref<1x1x64xi32, #tpu.memory_space<smem>>
      %max3A_94 = arith.constant 0 : i32
      %max3A_95 = arith.maxsi %get3A_93, %max3A_94 : i32
      %get3A_96 = arith.index_cast %max3A_95 : i32 to index
      %get3A_97 = arith.constant 0 : index
      %get3A_98 = vector.load %arg2[%get3A_96, %get3A_97] : memref<4096x768xf32, #tpu.memory_space<vmem>>, vector<1x768xf32>
      %swap3A_99 = arith.index_cast %scan3A_89 : i32 to index
      %swap3A_100 = arith.constant 0 : index
      %swap3A_101 = vector.load %arg8[%swap3A_99, %swap3A_100] : memref<64x768xf32, #tpu.memory_space<vmem>>, vector<1x768xf32>
      tpu.vector_store %arg8[%swap3A_99, %swap3A_100], %get3A_98 {strides = array<i32>} : memref<64x768xf32, #tpu.memory_space<vmem>>, vector<1x768xf32>,
      %scan3A_102 = arith.constant 4 : i32
      %scan3A_103 = arith.addi %scan3A_47, %scan3A_102 : i32
      %get3A_104 = arith.constant 0 : index
      %get3A_105 = arith.constant 0 : index
      %get3A_106 = arith.index_cast %scan3A_103 : i32 to index
      %get3A_107 = memref.load %arg1[%get3A_104, %get3A_105, %get3A_106] : memref<1x1x64xi32, #tpu.memory_space<smem>>
      %max3A_108 = arith.constant 0 : i32
      %max3A_109 = arith.maxsi %get3A_107, %max3A_108 : i32
      %get3A_110 = arith.index_cast %max3A_109 : i32 to index
      %get3A_111 = arith.constant 0 : index
      %get3A_112 = vector.load %arg2[%get3A_110, %get3A_111] : memref<4096x768xf32, #tpu.memory_space<vmem>>, vector<1x768xf32>
      %swap3A_113 = arith.index_cast %scan3A_103 : i32 to index
      %swap3A_114 = arith.constant 0 : index
      %swap3A_115 = vector.load %arg8[%swap3A_113, %swap3A_114] : memref<64x768xf32, #tpu.memory_space<vmem>>, vector<1x768xf32>
      tpu.vector_store %arg8[%swap3A_113, %swap3A_114], %get3A_112 {strides = array<i32>} : memref<64x768xf32, #tpu.memory_space<vmem>>, vector<1x768xf32>,
      %scan3A_116 = arith.constant 5 : i32
      %scan3A_117 = arith.addi %scan3A_47, %scan3A_116 : i32
      %get3A_118 = arith.constant 0 : index
      %get3A_119 = arith.constant 0 : index
      %get3A_120 = arith.index_cast %scan3A_117 : i32 to index
      %get3A_121 = memref.load %arg1[%get3A_118, %get3A_119, %get3A_120] : memref<1x1x64xi32, #tpu.memory_space<smem>>
      %max3A_122 = arith.constant 0 : i32
      %max3A_123 = arith.maxsi %get3A_121, %max3A_122 : i32
      %get3A_124 = arith.index_cast %max3A_123 : i32 to index
      %get3A_125 = arith.constant 0 : index
      %get3A_126 = vector.load %arg2[%get3A_124, %get3A_125] : memref<4096x768xf32, #tpu.memory_space<vmem>>, vector<1x768xf32>
      %swap3A_127 = arith.index_cast %scan3A_117 : i32 to index
      %swap3A_128 = arith.constant 0 : index
      %swap3A_129 = vector.load %arg8[%swap3A_127, %swap3A_128] : memref<64x768xf32, #tpu.memory_space<vmem>>, vector<1x768xf32>
      tpu.vector_store %arg8[%swap3A_127, %swap3A_128], %get3A_126 {strides = array<i32>} : memref<64x768xf32, #tpu.memory_space<vmem>>, vector<1x768xf32>,
      %scan3A_130 = arith.constant 6 : i32
      %scan3A_131 = arith.addi %scan3A_47, %scan3A_130 : i32
      %get3A_132 = arith.constant 0 : index
      %get3A_133 = arith.constant 0 : index
      %get3A_134 = arith.index_cast %scan3A_131 : i32 to index
      %get3A_135 = memref.load %arg1[%get3A_132, %get3A_133, %get3A_134] : memref<1x1x64xi32, #tpu.memory_space<smem>>
      %max3A_136 = arith.constant 0 : i32
      %max3A_137 = arith.maxsi %get3A_135, %max3A_136 : i32
      %get3A_138 = arith.index_cast %max3A_137 : i32 to index
      %get3A_139 = arith.constant 0 : index
      %get3A_140 = vector.load %arg2[%get3A_138, %get3A_139] : memref<4096x768xf32, #tpu.memory_space<vmem>>, vector<1x768xf32>
      %swap3A_141 = arith.index_cast %scan3A_131 : i32 to index
      %swap3A_142 = arith.constant 0 : index
      %swap3A_143 = vector.load %arg8[%swap3A_141, %swap3A_142] : memref<64x768xf32, #tpu.memory_space<vmem>>, vector<1x768xf32>
      tpu.vector_store %arg8[%swap3A_141, %swap3A_142], %get3A_140 {strides = array<i32>} : memref<64x768xf32, #tpu.memory_space<vmem>>, vector<1x768xf32>,
      %scan3A_144 = arith.constant 7 : i32
      %scan3A_145 = arith.addi %scan3A_47, %scan3A_144 : i32
      %get3A_146 = arith.constant 0 : index
      %get3A_147 = arith.constant 0 : index
      %get3A_148 = arith.index_cast %scan3A_145 : i32 to index
      %get3A_149 = memref.load %arg1[%get3A_146, %get3A_147, %get3A_148] : memref<1x1x64xi32, #tpu.memory_space<smem>>
      %max3A_150 = arith.constant 0 : i32
      %max3A_151 = arith.maxsi %get3A_149, %max3A_150 : i32
      %get3A_152 = arith.index_cast %max3A_151 : i32 to index
      %get3A_153 = arith.constant 0 : index
      %get3A_154 = vector.load %arg2[%get3A_152, %get3A_153] : memref<4096x768xf32, #tpu.memory_space<vmem>>, vector<1x768xf32>
      %swap3A_155 = arith.index_cast %scan3A_145 : i32 to index
      %swap3A_156 = arith.constant 0 : index
      %swap3A_157 = vector.load %arg8[%swap3A_155, %swap3A_156] : memref<64x768xf32, #tpu.memory_space<vmem>>, vector<1x768xf32>
      tpu.vector_store %arg8[%swap3A_155, %swap3A_156], %get3A_154 {strides = array<i32>} : memref<64x768xf32, #tpu.memory_space<vmem>>, vector<1x768xf32>,
      %scan3A_158 = arith.constant 8 : i32
      %scan3A_159 = arith.addi %scan3A_47, %scan3A_158 : i32
      %get3A_160 = arith.constant 0 : index
      %get3A_161 = arith.constant 0 : index
      %get3A_162 = arith.index_cast %scan3A_159 : i32 to index
      %get3A_163 = memref.load %arg1[%get3A_160, %get3A_161, %get3A_162] : memref<1x1x64xi32, #tpu.memory_space<smem>>
      %max3A_164 = arith.constant 0 : i32
      %max3A_165 = arith.maxsi %get3A_163, %max3A_164 : i32
      %get3A_166 = arith.index_cast %max3A_165 : i32 to index
      %get3A_167 = arith.constant 0 : index
      %get3A_168 = vector.load %arg2[%get3A_166, %get3A_167] : memref<4096x768xf32, #tpu.memory_space<vmem>>, vector<1x768xf32>
      %swap3A_169 = arith.index_cast %scan3A_159 : i32 to index
      %swap3A_170 = arith.constant 0 : index
      %swap3A_171 = vector.load %arg8[%swap3A_169, %swap3A_170] : memref<64x768xf32, #tpu.memory_space<vmem>>, vector<1x768xf32>
      tpu.vector_store %arg8[%swap3A_169, %swap3A_170], %get3A_168 {strides = array<i32>} : memref<64x768xf32, #tpu.memory_space<vmem>>, vector<1x768xf32>,
      %scan3A_172 = arith.constant 9 : i32
      %scan3A_173 = arith.addi %scan3A_47, %scan3A_172 : i32
      %get3A_174 = arith.constant 0 : index
      %get3A_175 = arith.constant 0 : index
      %get3A_176 = arith.index_cast %scan3A_173 : i32 to index
      %get3A_177 = memref.load %arg1[%get3A_174, %get3A_175, %get3A_176] : memref<1x1x64xi32, #tpu.memory_space<smem>>
      %max3A_178 = arith.constant 0 : i32
      %max3A_179 = arith.maxsi %get3A_177, %max3A_178 : i32
      %get3A_180 = arith.index_cast %max3A_179 : i32 to index
      %get3A_181 = arith.constant 0 : index
      %get3A_182 = vector.load %arg2[%get3A_180, %get3A_181] : memref<4096x768xf32, #tpu.memory_space<vmem>>, vector<1x768xf32>
      %swap3A_183 = arith.index_cast %scan3A_173 : i32 to index
      %swap3A_184 = arith.constant 0 : index
      %swap3A_185 = vector.load %arg8[%swap3A_183, %swap3A_184] : memref<64x768xf32, #tpu.memory_space<vmem>>, vector<1x768xf32>
      tpu.vector_store %arg8[%swap3A_183, %swap3A_184], %get3A_182 {strides = array<i32>} : memref<64x768xf32, #tpu.memory_space<vmem>>, vector<1x768xf32>,
      %scan3A_186 = arith.constant 10 : i32
      %scan3A_187 = arith.addi %scan3A_47, %scan3A_186 : i32
      %get3A_188 = arith.constant 0 : index
      %get3A_189 = arith.constant 0 : index
      %get3A_190 = arith.index_cast %scan3A_187 : i32 to index
      %get3A_191 = memref.load %arg1[%get3A_188, %get3A_189, %get3A_190] : memref<1x1x64xi32, #tpu.memory_space<smem>>
      %max3A_192 = arith.constant 0 : i32
      %max3A_193 = arith.maxsi %get3A_191, %max3A_192 : i32
      %get3A_194 = arith.index_cast %max3A_193 : i32 to index
      %get3A_195 = arith.constant 0 : index
      %get3A_196 = vector.load %arg2[%get3A_194, %get3A_195] : memref<4096x768xf32, #tpu.memory_space<vmem>>, vector<1x768xf32>
      %swap3A_197 = arith.index_cast %scan3A_187 : i32 to index
      %swap3A_198 = arith.constant 0 : index
      %swap3A_199 = vector.load %arg8[%swap3A_197, %swap3A_198] : memref<64x768xf32, #tpu.memory_space<vmem>>, vector<1x768xf32>
      tpu.vector_store %arg8[%swap3A_197, %swap3A_198], %get3A_196 {strides = array<i32>} : memref<64x768xf32, #tpu.memory_space<vmem>>, vector<1x768xf32>,
      %scan3A_200 = arith.constant 11 : i32
      %scan3A_201 = arith.addi %scan3A_47, %scan3A_200 : i32
      %get3A_202 = arith.constant 0 : index
      %get3A_203 = arith.constant 0 : index
      %get3A_204 = arith.index_cast %scan3A_201 : i32 to index
      %get3A_205 = memref.load %arg1[%get3A_202, %get3A_203, %get3A_204] : memref<1x1x64xi32, #tpu.memory_space<smem>>
      %max3A_206 = arith.constant 0 : i32
      %max3A_207 = arith.maxsi %get3A_205, %max3A_206 : i32
      %get3A_208 = arith.index_cast %max3A_207 : i32 to index
      %get3A_209 = arith.constant 0 : index
      %get3A_210 = vector.load %arg2[%get3A_208, %get3A_209] : memref<4096x768xf32, #tpu.memory_space<vmem>>, vector<1x768xf32>
      %swap3A_211 = arith.index_cast %scan3A_201 : i32 to index
      %swap3A_212 = arith.constant 0 : index
      %swap3A_213 = vector.load %arg8[%swap3A_211, %swap3A_212] : memref<64x768xf32, #tpu.memory_space<vmem>>, vector<1x768xf32>
      tpu.vector_store %arg8[%swap3A_211, %swap3A_212], %get3A_210 {strides = array<i32>} : memref<64x768xf32, #tpu.memory_space<vmem>>, vector<1x768xf32>,
      %scan3A_214 = arith.constant 12 : i32
      %scan3A_215 = arith.addi %scan3A_47, %scan3A_214 : i32
      %get3A_216 = arith.constant 0 : index
      %get3A_217 = arith.constant 0 : index
      %get3A_218 = arith.index_cast %scan3A_215 : i32 to index
      %get3A_219 = memref.load %arg1[%get3A_216, %get3A_217, %get3A_218] : memref<1x1x64xi32, #tpu.memory_space<smem>>
      %max3A_220 = arith.constant 0 : i32
      %max3A_221 = arith.maxsi %get3A_219, %max3A_220 : i32
      %get3A_222 = arith.index_cast %max3A_221 : i32 to index
      %get3A_223 = arith.constant 0 : index
      %get3A_224 = vector.load %arg2[%get3A_222, %get3A_223] : memref<4096x768xf32, #tpu.memory_space<vmem>>, vector<1x768xf32>
      %swap3A_225 = arith.index_cast %scan3A_215 : i32 to index
      %swap3A_226 = arith.constant 0 : index
      %swap3A_227 = vector.load %arg8[%swap3A_225, %swap3A_226] : memref<64x768xf32, #tpu.memory_space<vmem>>, vector<1x768xf32>
      tpu.vector_store %arg8[%swap3A_225, %swap3A_226], %get3A_224 {strides = array<i32>} : memref<64x768xf32, #tpu.memory_space<vmem>>, vector<1x768xf32>,
      %scan3A_228 = arith.constant 13 : i32
      %scan3A_229 = arith.addi %scan3A_47, %scan3A_228 : i32
      %get3A_230 = arith.constant 0 : index
      %get3A_231 = arith.constant 0 : index
      %get3A_232 = arith.index_cast %scan3A_229 : i32 to index
      %get3A_233 = memref.load %arg1[%get3A_230, %get3A_231, %get3A_232] : memref<1x1x64xi32, #tpu.memory_space<smem>>
      %max3A_234 = arith.constant 0 : i32
      %max3A_235 = arith.maxsi %get3A_233, %max3A_234 : i32
      %get3A_236 = arith.index_cast %max3A_235 : i32 to index
      %get3A_237 = arith.constant 0 : index
      %get3A_238 = vector.load %arg2[%get3A_236, %get3A_237] : memref<4096x768xf32, #tpu.memory_space<vmem>>, vector<1x768xf32>
      %swap3A_239 = arith.index_cast %scan3A_229 : i32 to index
      %swap3A_240 = arith.constant 0 : index
      %swap3A_241 = vector.load %arg8[%swap3A_239, %swap3A_240] : memref<64x768xf32, #tpu.memory_space<vmem>>, vector<1x768xf32>
      tpu.vector_store %arg8[%swap3A_239, %swap3A_240], %get3A_238 {strides = array<i32>} : memref<64x768xf32, #tpu.memory_space<vmem>>, vector<1x768xf32>,
      %scan3A_242 = arith.constant 14 : i32
      %scan3A_243 = arith.addi %scan3A_47, %scan3A_242 : i32
      %get3A_244 = arith.constant 0 : index
      %get3A_245 = arith.constant 0 : index
      %get3A_246 = arith.index_cast %scan3A_243 : i32 to index
      %get3A_247 = memref.load %arg1[%get3A_244, %get3A_245, %get3A_246] : memref<1x1x64xi32, #tpu.memory_space<smem>>
      %max3A_248 = arith.constant 0 : i32
      %max3A_249 = arith.maxsi %get3A_247, %max3A_248 : i32
      %get3A_250 = arith.index_cast %max3A_249 : i32 to index
      %get3A_251 = arith.constant 0 : index
      %get3A_252 = vector.load %arg2[%get3A_250, %get3A_251] : memref<4096x768xf32, #tpu.memory_space<vmem>>, vector<1x768xf32>
      %swap3A_253 = arith.index_cast %scan3A_243 : i32 to index
      %swap3A_254 = arith.constant 0 : index
      %swap3A_255 = vector.load %arg8[%swap3A_253, %swap3A_254] : memref<64x768xf32, #tpu.memory_space<vmem>>, vector<1x768xf32>
      tpu.vector_store %arg8[%swap3A_253, %swap3A_254], %get3A_252 {strides = array<i32>} : memref<64x768xf32, #tpu.memory_space<vmem>>, vector<1x768xf32>,
      %scan3A_256 = arith.constant 15 : i32
      %scan3A_257 = arith.addi %scan3A_47, %scan3A_256 : i32
      %get3A_258 = arith.constant 0 : index
      %get3A_259 = arith.constant 0 : index
      %get3A_260 = arith.index_cast %scan3A_257 : i32 to index
      %get3A_261 = memref.load %arg1[%get3A_258, %get3A_259, %get3A_260] : memref<1x1x64xi32, #tpu.memory_space<smem>>
      %max3A_262 = arith.constant 0 : i32
      %max3A_263 = arith.maxsi %get3A_261, %max3A_262 : i32
      %get3A_264 = arith.index_cast %max3A_263 : i32 to index
      %get3A_265 = arith.constant 0 : index
      %get3A_266 = vector.load %arg2[%get3A_264, %get3A_265] : memref<4096x768xf32, #tpu.memory_space<vmem>>, vector<1x768xf32>
      %swap3A_267 = arith.index_cast %scan3A_257 : i32 to index
      %swap3A_268 = arith.constant 0 : index
      %swap3A_269 = vector.load %arg8[%swap3A_267, %swap3A_268] : memref<64x768xf32, #tpu.memory_space<vmem>>, vector<1x768xf32>
      tpu.vector_store %arg8[%swap3A_267, %swap3A_268], %get3A_266 {strides = array<i32>} : memref<64x768xf32, #tpu.memory_space<vmem>>, vector<1x768xf32>,
    }
    %scan3A_5 = arith.constant 64 : i32
    %get3A = arith.constant 0 : index
    %get3A_6 = arith.constant 0 : index
    %get3A_7 = vector.load %arg8[%get3A, %get3A_6] : memref<64x768xf32, #tpu.memory_space<vmem>>, vector<64x768xf32>
    %convert_element_type3A_8 = arith.truncf %get3A_7 : vector<64x768xf32> to vector<64x768xbf16>
    %get3A_9 = arith.constant 0 : index
    %get3A_10 = arith.constant 0 : index
    %get3A_11 = arith.constant 0 : index
    %get3A_12 = vector.load %arg3[%get3A_9, %get3A_10, %get3A_11] : memref<1x768x3072xf32, #tpu.memory_space<vmem>>, vector<1x768x3072xf32>
    %get3A_13 = vector.shape_cast %get3A_12 : vector<1x768x3072xf32> to vector<768x3072xf32>
    %convert_element_type3A_14 = arith.truncf %get3A_13 : vector<768x3072xf32> to vector<768x3072xbf16>
    %dot_general3A = arith.constant dense<0.000000e+00> : vector<64x3072xf32>
    %dot_general3A_15 = tpu.matmul %convert_element_type3A_8, %convert_element_type3A_14, %dot_general3A {dimension_numbers = #tpu.dot_dimension_numbers<[1], [0], [0], [1], [0, 0, 1, 1], [], []>, transpose_lhs_hint = false} : vector<64x768xbf16>, vector<768x3072xbf16>, vector<64x3072xf32> -> vector<64x3072xf32>
    %get3A_16 = arith.constant 0 : index
    %get3A_17 = arith.constant 0 : index
    %get3A_18 = arith.constant 0 : index
    %get3A_19 = vector.load %arg4[%get3A_16, %get3A_17, %get3A_18] : memref<1x1x3072xf32, #tpu.memory_space<vmem>>, vector<1x1x3072xf32>
    %get3A_20 = vector.shape_cast %get3A_19 : vector<1x1x3072xf32> to vector<1x3072xf32>
    %add3A = vector.broadcast %get3A_20 : vector<1x3072xf32> to vector<64x3072xf32>
    %add3A_21 = arith.addf %dot_general3A_15, %add3A : vector<64x3072xf32>
    %max3A = arith.constant 0.000000e+00 : f32
    %max3A_22 = vector.broadcast %max3A : f32 to vector<64x3072xf32>
    %max3A_23 = arith.maximumf %add3A_21, %max3A_22 : vector<64x3072xf32>
    %convert_element_type3A_24 = arith.truncf %max3A_23 : vector<64x3072xf32> to vector<64x3072xbf16>
    %get3A_25 = arith.constant 0 : index
    %get3A_26 = arith.constant 0 : index
    %get3A_27 = arith.constant 0 : index
    %get3A_28 = vector.load %arg5[%get3A_25, %get3A_26, %get3A_27] : memref<1x3072x768xf32, #tpu.memory_space<vmem>>, vector<1x3072x768xf32>
    %get3A_29 = vector.shape_cast %get3A_28 : vector<1x3072x768xf32> to vector<3072x768xf32>
    %convert_element_type3A_30 = arith.truncf %get3A_29 : vector<3072x768xf32> to vector<3072x768xbf16>
    %dot_general3A_31 = arith.constant dense<0.000000e+00> : vector<64x768xf32>
    %dot_general3A_32 = tpu.matmul %convert_element_type3A_24, %convert_element_type3A_30, %dot_general3A_31 {dimension_numbers = #tpu.dot_dimension_numbers<[1], [0], [0], [1], [0, 0, 1, 1], [], []>, transpose_lhs_hint = false} : vector<64x3072xbf16>, vector<3072x768xbf16>, vector<64x768xf32> -> vector<64x768xf32>
    %get3A_33 = arith.constant 0 : index
    %get3A_34 = arith.constant 0 : index
    %get3A_35 = arith.constant 0 : index
    %get3A_36 = vector.load %arg6[%get3A_33, %get3A_34, %get3A_35] : memref<1x1x768xf32, #tpu.memory_space<vmem>>, vector<1x1x768xf32>
    %get3A_37 = vector.shape_cast %get3A_36 : vector<1x1x768xf32> to vector<1x768xf32>
    %add3A_38 = vector.broadcast %get3A_37 : vector<1x768xf32> to vector<64x768xf32>
    %add3A_39 = arith.addf %dot_general3A_32, %add3A_38 : vector<64x768xf32>
    %swap3A = arith.constant 0 : index
    %swap3A_40 = arith.constant 0 : index
    %swap3A_41 = vector.load %arg9[%swap3A, %swap3A_40] : memref<64x768xf32, #tpu.memory_space<vmem>>, vector<64x768xf32>
    tpu.vector_store %arg9[%swap3A, %swap3A_40], %add3A_39 {strides = array<i32>} : memref<64x768xf32, #tpu.memory_space<vmem>>, vector<64x768xf32>,
    %scan3A_42 = arith.constant 0 : i32
    %scan3A_43 = arith.constant 64 : i32
    %scan3A_44 = arith.addi %scan3A_42, %scan3A_43 : i32
    %scan3A_45 = arith.constant 16 : i32
    scf.for %scan3A_47 = %scan3A_42 to %scan3A_44 step %scan3A_45  : i32 {
      %get3A_48 = arith.constant 0 : index
      %get3A_49 = arith.constant 0 : index
      %get3A_50 = arith.index_cast %scan3A_47 : i32 to index
      %get3A_51 = memref.load %arg1[%get3A_48, %get3A_49, %get3A_50] : memref<1x1x64xi32, #tpu.memory_space<smem>>
      %ge3A = arith.constant 0 : i32
      %ge3A_52 = arith.cmpi sge, %get3A_51, %ge3A : i32
      %convert_element_type3A_53 = arith.extui %ge3A_52 : i1 to i32
      %cond3A_54 = arith.constant 0 : i32
      %cond3A_55 = arith.cmpi ne, %convert_element_type3A_53, %cond3A_54 : i32
      scf.if %cond3A_55 {
        %get3A_221 = arith.index_cast %scan3A_47 : i32 to index
        %get3A_222 = arith.constant 0 : index
        %get3A_223 = vector.load %arg9[%get3A_221, %get3A_222] : memref<64x768xf32, #tpu.memory_space<vmem>>, vector<1x768xf32>
        %swap3A_224 = arith.index_cast %get3A_51 : i32 to index
        %swap3A_225 = arith.constant 0 : index
        %swap3A_226 = vector.load %arg7[%swap3A_224, %swap3A_225] : memref<4096x768xf32, #tpu.memory_space<vmem>>, vector<1x768xf32>
        tpu.vector_store %arg7[%swap3A_224, %swap3A_225], %get3A_223 {strides = array<i32>} : memref<4096x768xf32, #tpu.memory_space<vmem>>, vector<1x768xf32>,
      } else {
      }
      %scan3A_56 = arith.constant 1 : i32
      %scan3A_57 = arith.addi %scan3A_47, %scan3A_56 : i32
      %get3A_58 = arith.constant 0 : index
      %get3A_59 = arith.constant 0 : index
      %get3A_60 = arith.index_cast %scan3A_57 : i32 to index
      %get3A_61 = memref.load %arg1[%get3A_58, %get3A_59, %get3A_60] : memref<1x1x64xi32, #tpu.memory_space<smem>>
      %ge3A_62 = arith.constant 0 : i32
      %ge3A_63 = arith.cmpi sge, %get3A_61, %ge3A_62 : i32
      %convert_element_type3A_64 = arith.extui %ge3A_63 : i1 to i32
      %cond3A_65 = arith.constant 0 : i32
      %cond3A_66 = arith.cmpi ne, %convert_element_type3A_64, %cond3A_65 : i32
      scf.if %cond3A_66 {
        %get3A_221 = arith.index_cast %scan3A_57 : i32 to index
        %get3A_222 = arith.constant 0 : index
        %get3A_223 = vector.load %arg9[%get3A_221, %get3A_222] : memref<64x768xf32, #tpu.memory_space<vmem>>, vector<1x768xf32>
        %swap3A_224 = arith.index_cast %get3A_61 : i32 to index
        %swap3A_225 = arith.constant 0 : index
        %swap3A_226 = vector.load %arg7[%swap3A_224, %swap3A_225] : memref<4096x768xf32, #tpu.memory_space<vmem>>, vector<1x768xf32>
        tpu.vector_store %arg7[%swap3A_224, %swap3A_225], %get3A_223 {strides = array<i32>} : memref<4096x768xf32, #tpu.memory_space<vmem>>, vector<1x768xf32>,
      } else {
      }
      %scan3A_67 = arith.constant 2 : i32
      %scan3A_68 = arith.addi %scan3A_47, %scan3A_67 : i32
      %get3A_69 = arith.constant 0 : index
      %get3A_70 = arith.constant 0 : index
      %get3A_71 = arith.index_cast %scan3A_68 : i32 to index
      %get3A_72 = memref.load %arg1[%get3A_69, %get3A_70, %get3A_71] : memref<1x1x64xi32, #tpu.memory_space<smem>>
      %ge3A_73 = arith.constant 0 : i32
      %ge3A_74 = arith.cmpi sge, %get3A_72, %ge3A_73 : i32
      %convert_element_type3A_75 = arith.extui %ge3A_74 : i1 to i32
      %cond3A_76 = arith.constant 0 : i32
      %cond3A_77 = arith.cmpi ne, %convert_element_type3A_75, %cond3A_76 : i32
      scf.if %cond3A_77 {
        %get3A_221 = arith.index_cast %scan3A_68 : i32 to index
        %get3A_222 = arith.constant 0 : index
        %get3A_223 = vector.load %arg9[%get3A_221, %get3A_222] : memref<64x768xf32, #tpu.memory_space<vmem>>, vector<1x768xf32>
        %swap3A_224 = arith.index_cast %get3A_72 : i32 to index
        %swap3A_225 = arith.constant 0 : index
        %swap3A_226 = vector.load %arg7[%swap3A_224, %swap3A_225] : memref<4096x768xf32, #tpu.memory_space<vmem>>, vector<1x768xf32>
        tpu.vector_store %arg7[%swap3A_224, %swap3A_225], %get3A_223 {strides = array<i32>} : memref<4096x768xf32, #tpu.memory_space<vmem>>, vector<1x768xf32>,
      } else {
      }
      %scan3A_78 = arith.constant 3 : i32
      %scan3A_79 = arith.addi %scan3A_47, %scan3A_78 : i32
      %get3A_80 = arith.constant 0 : index
      %get3A_81 = arith.constant 0 : index
      %get3A_82 = arith.index_cast %scan3A_79 : i32 to index
      %get3A_83 = memref.load %arg1[%get3A_80, %get3A_81, %get3A_82] : memref<1x1x64xi32, #tpu.memory_space<smem>>
      %ge3A_84 = arith.constant 0 : i32
      %ge3A_85 = arith.cmpi sge, %get3A_83, %ge3A_84 : i32
      %convert_element_type3A_86 = arith.extui %ge3A_85 : i1 to i32
      %cond3A_87 = arith.constant 0 : i32
      %cond3A_88 = arith.cmpi ne, %convert_element_type3A_86, %cond3A_87 : i32
      scf.if %cond3A_88 {
        %get3A_221 = arith.index_cast %scan3A_79 : i32 to index
        %get3A_222 = arith.constant 0 : index
        %get3A_223 = vector.load %arg9[%get3A_221, %get3A_222] : memref<64x768xf32, #tpu.memory_space<vmem>>, vector<1x768xf32>
        %swap3A_224 = arith.index_cast %get3A_83 : i32 to index
        %swap3A_225 = arith.constant 0 : index
        %swap3A_226 = vector.load %arg7[%swap3A_224, %swap3A_225] : memref<4096x768xf32, #tpu.memory_space<vmem>>, vector<1x768xf32>
        tpu.vector_store %arg7[%swap3A_224, %swap3A_225], %get3A_223 {strides = array<i32>} : memref<4096x768xf32, #tpu.memory_space<vmem>>, vector<1x768xf32>,
      } else {
      }
      %scan3A_89 = arith.constant 4 : i32
      %scan3A_90 = arith.addi %scan3A_47, %scan3A_89 : i32
      %get3A_91 = arith.constant 0 : index
      %get3A_92 = arith.constant 0 : index
      %get3A_93 = arith.index_cast %scan3A_90 : i32 to index
      %get3A_94 = memref.load %arg1[%get3A_91, %get3A_92, %get3A_93] : memref<1x1x64xi32, #tpu.memory_space<smem>>
      %ge3A_95 = arith.constant 0 : i32
      %ge3A_96 = arith.cmpi sge, %get3A_94, %ge3A_95 : i32
      %convert_element_type3A_97 = arith.extui %ge3A_96 : i1 to i32
      %cond3A_98 = arith.constant 0 : i32
      %cond3A_99 = arith.cmpi ne, %convert_element_type3A_97, %cond3A_98 : i32
      scf.if %cond3A_99 {
        %get3A_221 = arith.index_cast %scan3A_90 : i32 to index
        %get3A_222 = arith.constant 0 : index
        %get3A_223 = vector.load %arg9[%get3A_221, %get3A_222] : memref<64x768xf32, #tpu.memory_space<vmem>>, vector<1x768xf32>
        %swap3A_224 = arith.index_cast %get3A_94 : i32 to index
        %swap3A_225 = arith.constant 0 : index
        %swap3A_226 = vector.load %arg7[%swap3A_224, %swap3A_225] : memref<4096x768xf32, #tpu.memory_space<vmem>>, vector<1x768xf32>
        tpu.vector_store %arg7[%swap3A_224, %swap3A_225], %get3A_223 {strides = array<i32>} : memref<4096x768xf32, #tpu.memory_space<vmem>>, vector<1x768xf32>,
      } else {
      }
      %scan3A_100 = arith.constant 5 : i32
      %scan3A_101 = arith.addi %scan3A_47, %scan3A_100 : i32
      %get3A_102 = arith.constant 0 : index
      %get3A_103 = arith.constant 0 : index
      %get3A_104 = arith.index_cast %scan3A_101 : i32 to index
      %get3A_105 = memref.load %arg1[%get3A_102, %get3A_103, %get3A_104] : memref<1x1x64xi32, #tpu.memory_space<smem>>
      %ge3A_106 = arith.constant 0 : i32
      %ge3A_107 = arith.cmpi sge, %get3A_105, %ge3A_106 : i32
      %convert_element_type3A_108 = arith.extui %ge3A_107 : i1 to i32
      %cond3A_109 = arith.constant 0 : i32
      %cond3A_110 = arith.cmpi ne, %convert_element_type3A_108, %cond3A_109 : i32
      scf.if %cond3A_110 {
        %get3A_221 = arith.index_cast %scan3A_101 : i32 to index
        %get3A_222 = arith.constant 0 : index
        %get3A_223 = vector.load %arg9[%get3A_221, %get3A_222] : memref<64x768xf32, #tpu.memory_space<vmem>>, vector<1x768xf32>
        %swap3A_224 = arith.index_cast %get3A_105 : i32 to index
        %swap3A_225 = arith.constant 0 : index
        %swap3A_226 = vector.load %arg7[%swap3A_224, %swap3A_225] : memref<4096x768xf32, #tpu.memory_space<vmem>>, vector<1x768xf32>
        tpu.vector_store %arg7[%swap3A_224, %swap3A_225], %get3A_223 {strides = array<i32>} : memref<4096x768xf32, #tpu.memory_space<vmem>>, vector<1x768xf32>,
      } else {
      }
      %scan3A_111 = arith.constant 6 : i32
      %scan3A_112 = arith.addi %scan3A_47, %scan3A_111 : i32
      %get3A_113 = arith.constant 0 : index
      %get3A_114 = arith.constant 0 : index
      %get3A_115 = arith.index_cast %scan3A_112 : i32 to index
      %get3A_116 = memref.load %arg1[%get3A_113, %get3A_114, %get3A_115] : memref<1x1x64xi32, #tpu.memory_space<smem>>
      %ge3A_117 = arith.constant 0 : i32
      %ge3A_118 = arith.cmpi sge, %get3A_116, %ge3A_117 : i32
      %convert_element_type3A_119 = arith.extui %ge3A_118 : i1 to i32
      %cond3A_120 = arith.constant 0 : i32
      %cond3A_121 = arith.cmpi ne, %convert_element_type3A_119, %cond3A_120 : i32
      scf.if %cond3A_121 {
        %get3A_221 = arith.index_cast %scan3A_112 : i32 to index
        %get3A_222 = arith.constant 0 : index
        %get3A_223 = vector.load %arg9[%get3A_221, %get3A_222] : memref<64x768xf32, #tpu.memory_space<vmem>>, vector<1x768xf32>
        %swap3A_224 = arith.index_cast %get3A_116 : i32 to index
        %swap3A_225 = arith.constant 0 : index
        %swap3A_226 = vector.load %arg7[%swap3A_224, %swap3A_225] : memref<4096x768xf32, #tpu.memory_space<vmem>>, vector<1x768xf32>
        tpu.vector_store %arg7[%swap3A_224, %swap3A_225], %get3A_223 {strides = array<i32>} : memref<4096x768xf32, #tpu.memory_space<vmem>>, vector<1x768xf32>,
      } else {
      }
      %scan3A_122 = arith.constant 7 : i32
      %scan3A_123 = arith.addi %scan3A_47, %scan3A_122 : i32
      %get3A_124 = arith.constant 0 : index
      %get3A_125 = arith.constant 0 : index
      %get3A_126 = arith.index_cast %scan3A_123 : i32 to index
      %get3A_127 = memref.load %arg1[%get3A_124, %get3A_125, %get3A_126] : memref<1x1x64xi32, #tpu.memory_space<smem>>
      %ge3A_128 = arith.constant 0 : i32
      %ge3A_129 = arith.cmpi sge, %get3A_127, %ge3A_128 : i32
      %convert_element_type3A_130 = arith.extui %ge3A_129 : i1 to i32
      %cond3A_131 = arith.constant 0 : i32
      %cond3A_132 = arith.cmpi ne, %convert_element_type3A_130, %cond3A_131 : i32
      scf.if %cond3A_132 {
        %get3A_221 = arith.index_cast %scan3A_123 : i32 to index
        %get3A_222 = arith.constant 0 : index
        %get3A_223 = vector.load %arg9[%get3A_221, %get3A_222] : memref<64x768xf32, #tpu.memory_space<vmem>>, vector<1x768xf32>
        %swap3A_224 = arith.index_cast %get3A_127 : i32 to index
        %swap3A_225 = arith.constant 0 : index
        %swap3A_226 = vector.load %arg7[%swap3A_224, %swap3A_225] : memref<4096x768xf32, #tpu.memory_space<vmem>>, vector<1x768xf32>
        tpu.vector_store %arg7[%swap3A_224, %swap3A_225], %get3A_223 {strides = array<i32>} : memref<4096x768xf32, #tpu.memory_space<vmem>>, vector<1x768xf32>,
      } else {
      }
      %scan3A_133 = arith.constant 8 : i32
      %scan3A_134 = arith.addi %scan3A_47, %scan3A_133 : i32
      %get3A_135 = arith.constant 0 : index
      %get3A_136 = arith.constant 0 : index
      %get3A_137 = arith.index_cast %scan3A_134 : i32 to index
      %get3A_138 = memref.load %arg1[%get3A_135, %get3A_136, %get3A_137] : memref<1x1x64xi32, #tpu.memory_space<smem>>
      %ge3A_139 = arith.constant 0 : i32
      %ge3A_140 = arith.cmpi sge, %get3A_138, %ge3A_139 : i32
      %convert_element_type3A_141 = arith.extui %ge3A_140 : i1 to i32
      %cond3A_142 = arith.constant 0 : i32
      %cond3A_143 = arith.cmpi ne, %convert_element_type3A_141, %cond3A_142 : i32
      scf.if %cond3A_143 {
        %get3A_221 = arith.index_cast %scan3A_134 : i32 to index
        %get3A_222 = arith.constant 0 : index
        %get3A_223 = vector.load %arg9[%get3A_221, %get3A_222] : memref<64x768xf32, #tpu.memory_space<vmem>>, vector<1x768xf32>
        %swap3A_224 = arith.index_cast %get3A_138 : i32 to index
        %swap3A_225 = arith.constant 0 : index
        %swap3A_226 = vector.load %arg7[%swap3A_224, %swap3A_225] : memref<4096x768xf32, #tpu.memory_space<vmem>>, vector<1x768xf32>
        tpu.vector_store %arg7[%swap3A_224, %swap3A_225], %get3A_223 {strides = array<i32>} : memref<4096x768xf32, #tpu.memory_space<vmem>>, vector<1x768xf32>,
      } else {
      }
      %scan3A_144 = arith.constant 9 : i32
      %scan3A_145 = arith.addi %scan3A_47, %scan3A_144 : i32
      %get3A_146 = arith.constant 0 : index
      %get3A_147 = arith.constant 0 : index
      %get3A_148 = arith.index_cast %scan3A_145 : i32 to index
      %get3A_149 = memref.load %arg1[%get3A_146, %get3A_147, %get3A_148] : memref<1x1x64xi32, #tpu.memory_space<smem>>
      %ge3A_150 = arith.constant 0 : i32
      %ge3A_151 = arith.cmpi sge, %get3A_149, %ge3A_150 : i32
      %convert_element_type3A_152 = arith.extui %ge3A_151 : i1 to i32
      %cond3A_153 = arith.constant 0 : i32
      %cond3A_154 = arith.cmpi ne, %convert_element_type3A_152, %cond3A_153 : i32
      scf.if %cond3A_154 {
        %get3A_221 = arith.index_cast %scan3A_145 : i32 to index
        %get3A_222 = arith.constant 0 : index
        %get3A_223 = vector.load %arg9[%get3A_221, %get3A_222] : memref<64x768xf32, #tpu.memory_space<vmem>>, vector<1x768xf32>
        %swap3A_224 = arith.index_cast %get3A_149 : i32 to index
        %swap3A_225 = arith.constant 0 : index
        %swap3A_226 = vector.load %arg7[%swap3A_224, %swap3A_225] : memref<4096x768xf32, #tpu.memory_space<vmem>>, vector<1x768xf32>
        tpu.vector_store %arg7[%swap3A_224, %swap3A_225], %get3A_223 {strides = array<i32>} : memref<4096x768xf32, #tpu.memory_space<vmem>>, vector<1x768xf32>,
      } else {
      }
      %scan3A_155 = arith.constant 10 : i32
      %scan3A_156 = arith.addi %scan3A_47, %scan3A_155 : i32
      %get3A_157 = arith.constant 0 : index
      %get3A_158 = arith.constant 0 : index
      %get3A_159 = arith.index_cast %scan3A_156 : i32 to index
      %get3A_160 = memref.load %arg1[%get3A_157, %get3A_158, %get3A_159] : memref<1x1x64xi32, #tpu.memory_space<smem>>
      %ge3A_161 = arith.constant 0 : i32
      %ge3A_162 = arith.cmpi sge, %get3A_160, %ge3A_161 : i32
      %convert_element_type3A_163 = arith.extui %ge3A_162 : i1 to i32
      %cond3A_164 = arith.constant 0 : i32
      %cond3A_165 = arith.cmpi ne, %convert_element_type3A_163, %cond3A_164 : i32
      scf.if %cond3A_165 {
        %get3A_221 = arith.index_cast %scan3A_156 : i32 to index
        %get3A_222 = arith.constant 0 : index
        %get3A_223 = vector.load %arg9[%get3A_221, %get3A_222] : memref<64x768xf32, #tpu.memory_space<vmem>>, vector<1x768xf32>
        %swap3A_224 = arith.index_cast %get3A_160 : i32 to index
        %swap3A_225 = arith.constant 0 : index
        %swap3A_226 = vector.load %arg7[%swap3A_224, %swap3A_225] : memref<4096x768xf32, #tpu.memory_space<vmem>>, vector<1x768xf32>
        tpu.vector_store %arg7[%swap3A_224, %swap3A_225], %get3A_223 {strides = array<i32>} : memref<4096x768xf32, #tpu.memory_space<vmem>>, vector<1x768xf32>,
      } else {
      }
      %scan3A_166 = arith.constant 11 : i32
      %scan3A_167 = arith.addi %scan3A_47, %scan3A_166 : i32
      %get3A_168 = arith.constant 0 : index
      %get3A_169 = arith.constant 0 : index
      %get3A_170 = arith.index_cast %scan3A_167 : i32 to index
      %get3A_171 = memref.load %arg1[%get3A_168, %get3A_169, %get3A_170] : memref<1x1x64xi32, #tpu.memory_space<smem>>
      %ge3A_172 = arith.constant 0 : i32
      %ge3A_173 = arith.cmpi sge, %get3A_171, %ge3A_172 : i32
      %convert_element_type3A_174 = arith.extui %ge3A_173 : i1 to i32
      %cond3A_175 = arith.constant 0 : i32
      %cond3A_176 = arith.cmpi ne, %convert_element_type3A_174, %cond3A_175 : i32
      scf.if %cond3A_176 {
        %get3A_221 = arith.index_cast %scan3A_167 : i32 to index
        %get3A_222 = arith.constant 0 : index
        %get3A_223 = vector.load %arg9[%get3A_221, %get3A_222] : memref<64x768xf32, #tpu.memory_space<vmem>>, vector<1x768xf32>
        %swap3A_224 = arith.index_cast %get3A_171 : i32 to index
        %swap3A_225 = arith.constant 0 : index
        %swap3A_226 = vector.load %arg7[%swap3A_224, %swap3A_225] : memref<4096x768xf32, #tpu.memory_space<vmem>>, vector<1x768xf32>
        tpu.vector_store %arg7[%swap3A_224, %swap3A_225], %get3A_223 {strides = array<i32>} : memref<4096x768xf32, #tpu.memory_space<vmem>>, vector<1x768xf32>,
      } else {
      }
      %scan3A_177 = arith.constant 12 : i32
      %scan3A_178 = arith.addi %scan3A_47, %scan3A_177 : i32
      %get3A_179 = arith.constant 0 : index
      %get3A_180 = arith.constant 0 : index
      %get3A_181 = arith.index_cast %scan3A_178 : i32 to index
      %get3A_182 = memref.load %arg1[%get3A_179, %get3A_180, %get3A_181] : memref<1x1x64xi32, #tpu.memory_space<smem>>
      %ge3A_183 = arith.constant 0 : i32
      %ge3A_184 = arith.cmpi sge, %get3A_182, %ge3A_183 : i32
      %convert_element_type3A_185 = arith.extui %ge3A_184 : i1 to i32
      %cond3A_186 = arith.constant 0 : i32
      %cond3A_187 = arith.cmpi ne, %convert_element_type3A_185, %cond3A_186 : i32
      scf.if %cond3A_187 {
        %get3A_221 = arith.index_cast %scan3A_178 : i32 to index
        %get3A_222 = arith.constant 0 : index
        %get3A_223 = vector.load %arg9[%get3A_221, %get3A_222] : memref<64x768xf32, #tpu.memory_space<vmem>>, vector<1x768xf32>
        %swap3A_224 = arith.index_cast %get3A_182 : i32 to index
        %swap3A_225 = arith.constant 0 : index
        %swap3A_226 = vector.load %arg7[%swap3A_224, %swap3A_225] : memref<4096x768xf32, #tpu.memory_space<vmem>>, vector<1x768xf32>
        tpu.vector_store %arg7[%swap3A_224, %swap3A_225], %get3A_223 {strides = array<i32>} : memref<4096x768xf32, #tpu.memory_space<vmem>>, vector<1x768xf32>,
      } else {
      }
      %scan3A_188 = arith.constant 13 : i32
      %scan3A_189 = arith.addi %scan3A_47, %scan3A_188 : i32
      %get3A_190 = arith.constant 0 : index
      %get3A_191 = arith.constant 0 : index
      %get3A_192 = arith.index_cast %scan3A_189 : i32 to index
      %get3A_193 = memref.load %arg1[%get3A_190, %get3A_191, %get3A_192] : memref<1x1x64xi32, #tpu.memory_space<smem>>
      %ge3A_194 = arith.constant 0 : i32
      %ge3A_195 = arith.cmpi sge, %get3A_193, %ge3A_194 : i32
      %convert_element_type3A_196 = arith.extui %ge3A_195 : i1 to i32
      %cond3A_197 = arith.constant 0 : i32
      %cond3A_198 = arith.cmpi ne, %convert_element_type3A_196, %cond3A_197 : i32
      scf.if %cond3A_198 {
        %get3A_221 = arith.index_cast %scan3A_189 : i32 to index
        %get3A_222 = arith.constant 0 : index
        %get3A_223 = vector.load %arg9[%get3A_221, %get3A_222] : memref<64x768xf32, #tpu.memory_space<vmem>>, vector<1x768xf32>
        %swap3A_224 = arith.index_cast %get3A_193 : i32 to index
        %swap3A_225 = arith.constant 0 : index
        %swap3A_226 = vector.load %arg7[%swap3A_224, %swap3A_225] : memref<4096x768xf32, #tpu.memory_space<vmem>>, vector<1x768xf32>
        tpu.vector_store %arg7[%swap3A_224, %swap3A_225], %get3A_223 {strides = array<i32>} : memref<4096x768xf32, #tpu.memory_space<vmem>>, vector<1x768xf32>,
      } else {
      }
      %scan3A_199 = arith.constant 14 : i32
      %scan3A_200 = arith.addi %scan3A_47, %scan3A_199 : i32
      %get3A_201 = arith.constant 0 : index
      %get3A_202 = arith.constant 0 : index
      %get3A_203 = arith.index_cast %scan3A_200 : i32 to index
      %get3A_204 = memref.load %arg1[%get3A_201, %get3A_202, %get3A_203] : memref<1x1x64xi32, #tpu.memory_space<smem>>
      %ge3A_205 = arith.constant 0 : i32
      %ge3A_206 = arith.cmpi sge, %get3A_204, %ge3A_205 : i32
      %convert_element_type3A_207 = arith.extui %ge3A_206 : i1 to i32
      %cond3A_208 = arith.constant 0 : i32
      %cond3A_209 = arith.cmpi ne, %convert_element_type3A_207, %cond3A_208 : i32
      scf.if %cond3A_209 {
        %get3A_221 = arith.index_cast %scan3A_200 : i32 to index
        %get3A_222 = arith.constant 0 : index
        %get3A_223 = vector.load %arg9[%get3A_221, %get3A_222] : memref<64x768xf32, #tpu.memory_space<vmem>>, vector<1x768xf32>
        %swap3A_224 = arith.index_cast %get3A_204 : i32 to index
        %swap3A_225 = arith.constant 0 : index
        %swap3A_226 = vector.load %arg7[%swap3A_224, %swap3A_225] : memref<4096x768xf32, #tpu.memory_space<vmem>>, vector<1x768xf32>
        tpu.vector_store %arg7[%swap3A_224, %swap3A_225], %get3A_223 {strides = array<i32>} : memref<4096x768xf32, #tpu.memory_space<vmem>>, vector<1x768xf32>,
      } else {
      }
      %scan3A_210 = arith.constant 15 : i32
      %scan3A_211 = arith.addi %scan3A_47, %scan3A_210 : i32
      %get3A_212 = arith.constant 0 : index
      %get3A_213 = arith.constant 0 : index
      %get3A_214 = arith.index_cast %scan3A_211 : i32 to index
      %get3A_215 = memref.load %arg1[%get3A_212, %get3A_213, %get3A_214] : memref<1x1x64xi32, #tpu.memory_space<smem>>
      %ge3A_216 = arith.constant 0 : i32
      %ge3A_217 = arith.cmpi sge, %get3A_215, %ge3A_216 : i32
      %convert_element_type3A_218 = arith.extui %ge3A_217 : i1 to i32
      %cond3A_219 = arith.constant 0 : i32
      %cond3A_220 = arith.cmpi ne, %convert_element_type3A_218, %cond3A_219 : i32
      scf.if %cond3A_220 {
        %get3A_221 = arith.index_cast %scan3A_211 : i32 to index
        %get3A_222 = arith.constant 0 : index
        %get3A_223 = vector.load %arg9[%get3A_221, %get3A_222] : memref<64x768xf32, #tpu.memory_space<vmem>>, vector<1x768xf32>
        %swap3A_224 = arith.index_cast %get3A_215 : i32 to index
        %swap3A_225 = arith.constant 0 : index
        %swap3A_226 = vector.load %arg7[%swap3A_224, %swap3A_225] : memref<4096x768xf32, #tpu.memory_space<vmem>>, vector<1x768xf32>
        tpu.vector_store %arg7[%swap3A_224, %swap3A_225], %get3A_223 {strides = array<i32>} : memref<4096x768xf32, #tpu.memory_space<vmem>>, vector<1x768xf32>,
      } else {
      }
    }
    %scan3A_46 = arith.constant 64 : i32
    return
  }
  func.func @transform_0(%arg0: i32) -> (i32, i32, i32) {
    %c0_i32 = arith.constant 0 : i32
    %c0_i32_0 = arith.constant 0 : i32
    %c0_i32_1 = arith.constant 0 : i32
    return %arg0, %c0_i32, %c0_i32_0 : i32, i32, i32
  }
  func.func @transform_1(%arg0: i32) -> (i32, i32) {
    %c0_i32 = arith.constant 0 : i32
    %c0_i32_0 = arith.constant 0 : i32
    %c0_i32_1 = arith.constant 0 : i32
    return %c0_i32, %c0_i32_0 : i32, i32
  }
  func.func @transform_2(%arg0: i32) -> (i32, i32, i32) {
    %c0_i32 = arith.constant 0 : i32
    %c0_i32_0 = arith.constant 0 : i32
    %c0_i32_1 = arith.constant 0 : i32
    return %arg0, %c0_i32, %c0_i32_0 : i32, i32, i32
  }
  func.func @transform_3(%arg0: i32) -> (i32, i32, i32) {
    %c0_i32 = arith.constant 0 : i32
    %c0_i32_0 = arith.constant 0 : i32
    %c0_i32_1 = arith.constant 0 : i32
    return %arg0, %c0_i32, %c0_i32_0 : i32, i32, i32
  }
  func.func @transform_4(%arg0: i32) -> (i32, i32, i32) {
    %c0_i32 = arith.constant 0 : i32
    %c0_i32_0 = arith.constant 0 : i32
    %c0_i32_1 = arith.constant 0 : i32
    return %arg0, %c0_i32, %c0_i32_0 : i32, i32, i32
  }
  func.func @transform_5(%arg0: i32) -> (i32, i32, i32) {
    %c0_i32 = arith.constant 0 : i32
    %c0_i32_0 = arith.constant 0 : i32
    %c0_i32_1 = arith.constant 0 : i32
    return %arg0, %c0_i32, %c0_i32_0 : i32, i32, i32
  }
  func.func @transform_6(%arg0: i32) -> (i32, i32) {
    %c0_i32 = arith.constant 0 : i32
    %c0_i32_0 = arith.constant 0 : i32
    %c0_i32_1 = arith.constant 0 : i32
    return %c0_i32, %c0_i32_0 : i32, i32
  }
}

</mosaic_0001>

<sc_bundles>
// kernel: kernel.4.cloned.1.call-start
scs
__scs_entry_jumppad:
0x0: {  	(pc) =	sbr.rel $0x88, $3  }
0x1: {  	(tag) =	ssettag $0x0;
	lr =	simm.s32 $0x1  }
0x2: {  	[smem:$0x3F97] =	sst lr;
	_ =	strace $0xD0000000  }
0x3: {  	_ = 	snop  }
0x4: {  	_ = 	snop  }
0x5: {  	_ = 	snop  }
0x6: {  	_ = 	snop  }
0x7: {  	_ = 	snop  }
__scs_overlays_trampoline_lowered:
0x8: {  	[smem:$0x3FA6] =	sst s0  }
0x9: {  	[smem:$0x3FA7] =	sst s1  }
0xa: {  	[smem:$0x3FA8] =	sst s2  }
0xb: {  	[smem:$0x3FA9] =	sst s3  }
0xc: {  	[smem:$0x3FAA] =	sst s4  }
0xd: {  	[smem:$0x3FAB] =	sst s5  }
0xe: {  	[smem:$0x3FAC] =	sst s6  }
0xf: {  	[smem:$0x3FAD] =	sst s7  }
0x10: {  	[smem:$0x3FAE] =	sst s8  }
0x11: {  	[smem:$0x3FAF] =	sst s9;
	s0 =	simm.s32 @!p0 $0x0  }
0x12: {  	s1 =	sld [smem:$0x3F95];
	s0 =	simm.s32 @p0 $0x1  }
0x13: {  	[smem:$0x3FB0] =	sst s0;
	s0 =	simm.s32 @!p1 $0x0  }
0x14: {  	s2 =	sld [smem:$0x3F94];
	s0 =	simm.s32 @p1 $0x1  }
0x15: {  	[smem:$0x3FB1] =	sst s0;
	s0 =	simm.s32 @!p2 $0x0  }
0x16: {  	s3 =	sld [smem:$0x3FDB];
	s0 =	simm.s32 @p2 $0x1  }
0x17: {  	s4 =	simm.s32 $0x1BF5;
	[smem:$0x3FB3] =	sst s0  }
0x18: {  	s0 =	sld [smem:$0x3F96];
	_ =	swait.ge [sflag:s4], $0x0  }
0x19: {  	s7 =	sld [smem:$0x3F97]  }
0x1a: {  	s8 =	sadd.s32 $0xFFFFE003, lr  }
0x1b: {  	s9 =	sadd.s32 $0xFFFFFEF7, lr;
	s5 =	simm.s32 $0xFFFFFFFF;
	p2 =	slt.u32 s8, $0xFFFFF086  }
0x1c: {  	p1 =	slt.u32 s9, $0xF7A;
	s5 =	simm.s32 @!p2 $0x0  }
0x1d: {  	s5 =	simm.s32 @p1 $0x1;
	p0 =	seq.s32 s7, s2  }
0x1e: {  	s7 =	smul.u32 @!p0 $0xF7A, s2;
	p2 =	seq.s32 @!p0 s5, $0x0  }
0x1f: {  	s9 =	smul.u32 $0xF7A, s1;
	s8 =	simm.s32 @!p0 $0x1BF5;
	p2 =	por !p2, p0  }
0x20: {  	[sflag:s8] =	ssyncset.s32 @!p0 $0xFFFFF086;
	s6 =	sadd.s32 @!p0 s3, s7;
	s7 =	simm.s32 @!p0 $0x108  }
0x21: {  	s3 =	sadd.s32 s3, s9;
	s6 =	sadd.s32 @!p0 $0x88, s6;
	s7 =	simm.s32 @p2 $0x1082  }
0x22: {  	[simem:s7], [sflag:s8] =	dma.local @!p0 [hbm:s6], $0xF7A  }
0x23: {  	s9 =	sor.u32 $0xD0000000, s2;
	s6 =	simm.s32 $0x108;
	_ =	swait.ge @!p0 [sflag:s8], $0x0  }
0x24: {  	s3 =	sadd.s32 $0x88, s3;
	s6 =	simm.s32 @!p1 $0x1082;
	[sflag:s4] =	ssyncset.s32 $0xFFFFF086  }
0x25: {  	[simem:s6], [sflag:s4] =	dma.local [hbm:s3], $0xF7A  }
0x26: {  	[smem:$0x3F97] =	sst s1;
	(tag) =	ssettag s2;
	_ =	strace s9  }
0x27: {  	s1 =	sld [smem:$0x3FA7]  }
0x28: {  	s2 =	sld [smem:$0x3FA8]  }
0x29: {  	s4 =	sld [smem:$0x3FAA]  }
0x2a: {  	p0 =	seq.s32 s5, $0x0;
	s5 =	sld [smem:$0x3FAB]  }
0x2b: {  	s6 =	sld [smem:$0x3FAC]  }
0x2c: {  	s7 =	sld [smem:$0x3FAD]  }
0x2d: {  	s3 =	simm.s32 $0x108;
	s8 =	sld [smem:$0x3FAE]  }
0x2e: {  	s3 =	simm.s32 @!p0 $0x1082;
	s9 =	sld [smem:$0x3FAF]  }
0x2f: {  	lr =	sadd.s32 s0, s3;
	s0 =	sld [smem:$0x3FA6]  }
0x30: {  	s3 =	sld [smem:$0x3FA9]  }
0x31: {  	[smem:$0x3FB2] =	sst s10  }
0x32: {  	s10 =	sld [smem:$0x3FB0];
	_ =	sdelay $0x3  }
0x33: {  	p0 =	seq.s32 s10, $0x1;
	s10 =	sld [smem:$0x3FB2];
	_ =	sdelay $0x3  }
0x34: {  	[smem:$0x3FB2] =	sst s10  }
0x35: {  	s10 =	sld [smem:$0x3FB1];
	_ =	sdelay $0x3  }
0x36: {  	p1 =	seq.s32 s10, $0x1;
	s10 =	sld [smem:$0x3FB2];
	_ =	sdelay $0x3  }
0x37: {  	[smem:$0x3FB2] =	sst s10  }
0x38: {  	s10 =	sld [smem:$0x3FB3]  }
0x39: {  	_ = 	snop;
	(pc) =	sbr.ind lr, $3  }
0x3a: {  	_ = 	snop  }
0x3b: {  	_ = 	snop  }
0x3c: {  	p2 =	seq.s32 s10, $0x1;
	s10 =	sld [smem:$0x3FB2]  }
0x3d: {  	_ =	shalt  }
0x3e: {  	_ =	shalt  }
0x3f: {  	_ =	shalt  }
0x40: {  	_ =	shalt  }
0x41: {  	_ =	shalt  }
0x42: {  	_ =	shalt  }
0x43: {  	_ =	shalt  }
0x44: {  	_ =	shalt  }
0x45: {  	_ =	shalt  }
0x46: {  	_ =	shalt  }
0x47: {  	_ =	shalt  }
0x48: {  	_ =	shalt  }
0x49: {  	_ =	shalt  }
0x4a: {  	_ =	shalt  }
0x4b: {  	_ =	shalt  }
0x4c: {  	_ =	shalt  }
0x4d: {  	_ =	shalt  }
0x4e: {  	_ =	shalt  }
0x4f: {  	_ =	shalt  }
0x50: {  	_ =	shalt  }
0x51: {  	_ =	shalt  }
0x52: {  	_ =	shalt  }
0x53: {  	_ =	shalt  }
0x54: {  	_ =	shalt  }
0x55: {  	_ =	shalt  }
0x56: {  	_ =	shalt  }
0x57: {  	_ =	shalt  }
0x58: {  	_ =	shalt  }
0x59: {  	_ =	shalt  }
0x5a: {  	_ =	shalt  }
0x5b: {  	_ =	shalt  }
0x5c: {  	_ =	shalt  }
0x5d: {  	_ =	shalt  }
0x5e: {  	_ =	shalt  }
0x5f: {  	_ =	shalt  }
0x60: {  	_ =	shalt  }
0x61: {  	_ =	shalt  }
0x62: {  	_ =	shalt  }
0x63: {  	_ =	shalt  }
0x64: {  	_ =	shalt  }
0x65: {  	_ =	shalt  }
0x66: {  	_ =	shalt  }
0x67: {  	_ =	shalt  }
0x68: {  	_ =	shalt  }
0x69: {  	_ =	shalt  }
0x6a: {  	_ =	shalt  }
0x6b: {  	_ =	shalt  }
0x6c: {  	_ =	shalt  }
0x6d: {  	_ =	shalt  }
0x6e: {  	_ =	shalt  }
0x6f: {  	_ =	shalt  }
0x70: {  	_ =	shalt  }
0x71: {  	_ =	shalt  }
0x72: {  	_ =	shalt  }
0x73: {  	_ =	shalt  }
0x74: {  	_ =	shalt  }
0x75: {  	_ =	shalt  }
0x76: {  	_ =	shalt  }
0x77: {  	_ =	shalt  }
0x78: {  	_ =	shalt  }
0x79: {  	_ =	shalt  }
0x7a: {  	_ =	shalt  }
0x7b: {  	_ =	shalt  }
0x7c: {  	_ =	shalt  }
0x7d: {  	_ =	shalt  }
0x7e: {  	_ =	shalt  }
0x7f: {  	_ =	shalt  }
0x80: {  	_ =	shalt  }
0x81: {  	_ =	shalt  }
0x82: {  	_ =	shalt  }
0x83: {  	_ =	shalt  }
0x84: {  	_ =	shalt  }
0x85: {  	_ =	shalt  }
0x86: {  	_ =	shalt  }
0x87: {  	_ =	shalt  }
.Lfunc_end0:
.L_simem_size_0:
called_computation_lowered:
.L_overlay_start_0:
0x88: {  	s2 =	sld [smem:$0x3FD9]  }
0x89: {  	s3 =	sld [smem:$0x3FFE];
	_ =	sdelay $0x1  }
0x8a: {  	s1 =	srdreg.scid  }
0x8b: {  	s0 =	sand.u32 $0x1, s1  }
0x8c: {  	s17 =	sshll.u32 s0, $0xA;
	s2 =	sadd.s32 s3, s2  }
0x8d: {  	s2 =	sadd.s32 s2, s17  }
0x8e: {  	[smem:$0x3FBE] =	sst s2  }
0x8f: {  	_ = 	snop  }
0x90: {  	s2 =	sld [smem:$0x3FD0];
	(tm) =	ssettm $0x1  }
0x91: {  	s18 =	sld [smem:$0x3FFB];
	_ =	sdelay $0x3  }
0x92: {  	_ =	strace s18  }
0x93: {  	s3 =	sld [smem:$0x3FFC];
	_ =	sdelay $0x3  }
0x94: {  	_ =	strace s3  }
0x95: {  	s3 =	sld [smem:$0x3FFD];
	_ =	sdelay $0x3  }
0x96: {  	_ =	strace s3  }
0x97: {  	_ =	strace $0x8FFFFFFF  }
0x98: {  	s19 =	sld [smem:$0x3FDB];
	_ =	sdelay $0x1  }
0x99: {  	s4 =	simm.s32 $_scs_section_size  }
0x9a: {  	s5 =	simm.s32 $_size__tile_overlayer_lowered;
	s6 =	simm.s32 $_tile_overlayer_lowered  }
0x9b: {  	s22 =	simm.s32 $0x1BFF;
	s21 =	sshll.u32 s6, $0x1;
	s3 =	sadd.s32 s4, s19  }
0x9c: {  	s7 =	simm.s32 $0x0;
	s20 =	sshll.u32 s5, $0x1;
	s5 =	sadd.s32 s21, s3  }
0x9d: {  	[timem:s7], [sflag:s22] =	dma.local [hbm:s5], s20  }
0x9e: {  	_ =	swait.ge [sflag:s22], s20  }
0x9f: {  	s4 =	ssub.s32 $0x0, s20;
	[sflag:s22] =	ssyncset.done $0x0  }
0xa0: {  	[sflag:s22] =	ssyncadd.s32 s4;
	_ =	sdelay $0x1  }
0xa1: {  	s23 =	simm.s32 $0x1B8B  }
0xa2: {  	_ =	swait.ge [sflag:s23], $0x1  }
0xa3: {  	[sflag:s23] =	ssyncset.done $0x0  }
0xa4: {  	s25 =	simm.s32 $0x1B8E;
	s24 =	sld [smem:$0x3FFE];
	[sflag:s23] =	ssyncadd.s32 $0xFFFFFFFF  }
0xa5: {  	s26 =	simm.s32 $execute0_lowered;
	[smem:$0x3FD2] =	sst s25  }
0xa6: {  	s5 =	sshll.u32 s26, $0x1;
	_ =	strace $0x80000046;
	[dreg:$0x1] =	wrdreg $0xFFFFFFFF  }
0xa7: {  	s28 =	simm.s32 $_size_execute0_lowered;
	s3 =	sadd.s32 s3, s5;
	[dreg:$0x0] =	wrdreg $0x0  }
0xa8: {  	s5 =	sshll.u32 s28, $0x1;
	[dreg:$0x2] =	wrdreg s3  }
0xa9: {  	[dreg:$0x3] =	wrdreg s5  }
0xaa: {  	[dreg:$0x4] =	wrdreg $0xC0  }
0xab: {  	_ =	task [dreg:s7], $0x5FFFF  }
0xac: {  	[dreg:$0x1] =	wrdreg $0xFFFFFFFF  }
0xad: {  	[dreg:$0x0] =	wrdreg $0x60  }
0xae: {  	[dreg:$0x2] =	wrdreg s2  }
0xaf: {  	[dreg:$0x3] =	wrdreg s24  }
0xb0: {  	[dreg:$0x4] =	wrdreg $0x9  }
0xb1: {  	_ =	task.clear_ibuf [dreg:s7], $0x5FFFF;
	_ =	strace $0x90000046  }
0xb2: {  	s29 =	simm.s32 $0x9;
	_ =	strace $0x80000048  }
0xb3: {  	_ =	swait.ge [sflag:s29], $0x1  }
0xb4: {  	[sflag:s29] =	ssyncadd.s32 $0xFFFFFFFF  }
0xb5: {  	_ =	strace $0x90000048  }
0xb6: {  	_ =	sfence  }
0xb7: {  	s30 =	sld [smem:$0x0];
	_ =	sdelay $0x2  }
0xb8: {  	s31 =	sshll.u32 s1, $0xD;
	s1 =	sshrl.u32 s1, $0x2  }
0xb9: {  	s3 =	sand.u32 $0x4000, s31;
	s1 =	sadd.s32 s1, s30  }
0xba: {  	s0 =	sor.u32 s3, s0;
	s1 =	sshll.u32 s1, $0x11  }
0xbb: {  	s0 =	sor.u32 s1, s0  }
0xbc: {  	s0 =	sadd.s32 $0x8F2B, s0  }
0xbd: {  	[sflag:s0] =	ssyncadd.remote.s32 $0x1  }
0xbe: {  	_ =	sfence.sel $0xFFFF  }
0xbf: {  	[dreg:$0x0] =	wrdreg $0xFFFFFFFF;
	(pc) =	sbr.abs _section_cstart, $3  }
0xc0: {  	[dreg:$0x1] =	wrdreg $0xFFFFFFFF  }
0xc1: {  	_ =	task.clear_ibuf [dreg:s7], $0x2FFFF;
	_ =	strace $0x9FFFFFFF  }
0xc2: {  	(tm) =	ssettm $0x7FFFFFFF  }
0xc3: {  	_ =	shalt  }
tec
execute0_lowered:
.L_overlay_start_1:
0x0: {  	(tag) =	ssettag $0x1  }
0x1: {  	v0 =	vimm.s32 $0xEDCBA987;
	v2 =	vimm.s32 $0x65432100;
	v6 =	vimm.s32 $0xDCBA9876  }
0x2: {  	vm0 =	vcmask $0x300;
	v7 =	vimm.s32 $0x54321000;
	v8 =	vimm.s32 $0xE40000  }
0x3: {  	v9 =	vimm.s32 $0xBA987654;
	v10 =	vimm.s32 $0x32100000;
	vm13 =	vcmask $0x700  }
0x4: {  	v11 =	vimm.s32 $0x7060504;
	vm14 =	vcmask $0x3F30;
	vm15 =	vcmask $0xF00  }
0x5: {  	v3 =	vunpack.c.l.s4.s8 v0;
	v4 =	vunpack.c.l.s4.s8 v2;
	v2 =	vimm.s32 $0xFFFFFFFF  }
0x6: {  	s1 =	srdreg.scid;
	s0 =	stileid.u32;
	v6 =	vunpack.c.l.s4.s8 v6;
	v7 =	vunpack.c.l.s4.s8 v7;
	v8 =	vunpack.c.l.s2.s4 v8  }
0x7: {  	s4 =	sand.u32 $0x1, s1;
	s30 =	sshll.u32 s0, $0x1;
	v9 =	vunpack.c.l.s4.s8 v9;
	v10 =	vunpack.c.l.s4.s8 v10;
	v11 =	vunpack.c.0.s8.s32 v11  }
0x8: {  	s5 =	sor.u32 s4, s30;
	v5 =	vunpack.c.0.s8.s32 v3;
	v3 =	vlaneseq.u32;
	v4 =	vunpack.c.0.s8.s32 v4  }
0x9: {  	s7 =	rddreg [dreg:$0x1];
	s1 =	sshll.u32 s5, $0x1;
	v6 =	vunpack.c.0.s8.s32 v6;
	v7 =	vunpack.c.0.s8.s32 v7;
	v8 =	vunpack.c.l.s4.s8 v8  }
0xa: {  	s2 =	rddreg [dreg:$0x2];
	s3 =	simm.s32 $0x0;
	s6 =	sshllo.u32 s5, $0x1;
	v9 =	vunpack.c.0.s8.s32 v9;
	v10 =	vunpack.c.0.s8.s32 v10;
	v0 =	vmov s1  }
0xb: {  	s9 =	simm.s32 $0x1080;
	s10 =	simm.s32 $0x0;
	s4 =	ssub.s32 $0x2, s4;
	v1 =	vmov s6;
	v5 =	vand.u32 $0xF, v5;
	v8 =	vunpack.c.0.s8.s32 v8  }
0xc: {  	[smem:$0x7FF] =	sst s3;
	s8 =	sshrl.u32 s4, $0x1;
	s5 =	sshll.u32 s5, $0x4;
	v6 =	vand.u32 $0xF, v6;
	v9 =	vand.u32 $0xF, v9;
	v4 =	vcombine.low v4, v5  }
0xd: {  	s1 =	rddreg [dreg:$0x0];
	_ =	strace $0x80000047;
	s31 =	sshll.u32 s6, $0x3;
	v5 =	vsel vm0, $0x0, v2;
	v6 =	vcombine.low v7, v6;
	v8 =	vand.u32 $0x3, v8  }
0xe: {  	s8 =	ssub.s32 s4, s8;
	s4 =	sadd.s32 s7, s5;
	s5 =	sadd.s32 s7, s31;
	v7 =	vsel vm13, $0x0, v2;
	v8 =	vsel vm14, v11, v8;
	v11 =	vshrl.u32 v3, $0x3  }
0xf: {  	s6 =	smax.u32 s8, $0x1;
	s7 =	simm.s32 $0x1;
	s8 =	simm.s32 $0x1000;
	v9 =	vcombine.low v10, v9;
	v10 =	vsel vm15, $0x0, v2;
	v11 =	vmul.u32 $0xFFFFFFFF, v11  }
.LBB2_1:
0x10: {  	[tilespmem:s3], [sflag:$0x1] =	stream.linear.gather [hbm4b:s1+s3], $0x1000, $0x38;
	[tilespmem:$0x1100] =	vst v63  }
0x11: {  	_ =	swait.ge [sflag:s7], $0x1000  }
0x12: {  	[sflag:s7] =	ssyncset.done $0x0  }
0x13: {  	[sflag:s7] =	ssyncadd.s32 $0xFFFFF000  }
0x14: {  	[tilespmem:$0x1000] =	vst v2  }
0x15: {  	[tilespmem:$0x1080] =	vst v2  }
0x16: {  	[tilespmem:$0x1010] =	vst v2  }
0x17: {  	[tilespmem:$0x1090] =	vst v2  }
0x18: {  	[tilespmem:$0x1020] =	vst v2  }
0x19: {  	[tilespmem:$0x10A0] =	vst v2  }
0x1a: {  	[tilespmem:$0x1030] =	vst v2  }
0x1b: {  	[tilespmem:$0x10B0] =	vst v2  }
0x1c: {  	[tilespmem:$0x1040] =	vst v2  }
0x1d: {  	[tilespmem:$0x10C0] =	vst v2  }
0x1e: {  	s11 =	simm.s32 $0xFFFFFFF8;
	s12 =	simm.s32 $0x70;
	[tilespmem:$0x1050] =	vst v2  }
0x1f: {  	s13 =	simm.s32 $0x40;
	s14 =	simm.s32 $0x0;
	s15 =	simm.s32 $0x0;
	[tilespmem:$0x10D0] =	vst v2  }
.LBB2_2:
0x20: {  	v12 =	vld [tilespmem:s13+$0xFFFFFFC0];
	_ =	sdelay $0x4  }
0x21: {  	v13 =	vsub.s32 v12, v1  }
0x22: {  	v12 =	vsub.s32 v12, v0;
	v14 =	vsub.s32 $0x0, v13  }
0x23: {  	v15 =	vsub.s32 $0x0, v12;
	v13 =	vmin.u32 v13, v14  }
0x24: {  	v12 =	vmin.u32 v12, v15;
	v13 =	vsub.s32 $0x1, v13  }
0x25: {  	v12 =	vsub.s32 $0x1, v12;
	vm0 =	vgt.s32 v13, $0x0  }
0x26: {  	vm9 =	vgt.s32 v12, $0x0;
	v13 =	vnsel vm0, $0x0, v13  }
0x27: {  	v12 =	vnsel vm9, $0x0, v12;
	v25 =	vshll.u32 v13, $0x10  }
0x28: {  	v14 =	vadd.s32 v12, v25  }
0x29: {  	v26 =	vperm.xlane v14, v4;
	_ =	sdelay $0x1  }
0x2a: {  	v15 =	vand.u32 v5, v26  }
0x2b: {  	v14 =	vadd.s32 v15, v14  }
0x2c: {  	v15 =	vperm.xlane v14, v6;
	_ =	sdelay $0x1  }
0x2d: {  	v15 =	vand.u32 v7, v15  }
0x2e: {  	v14 =	vadd.s32 v15, v14  }
0x2f: {  	v15 =	vperm.xlane v14, v9;
	_ =	sdelay $0x1  }
0x30: {  	v15 =	vand.u32 v10, v15  }
0x31: {  	v14 =	vadd.s32 v15, v14  }
0x32: {  	v15 =	vperm.xlane v14, v8;
	_ =	sdelay $0x1  }
0x33: {  	v15 =	vand.u32 v11, v15  }
0x34: {  	v14 =	vadd.s32 v15, v14  }
0x35: {  	v16 =	vsub.s32 s15, v12;
	v15 =	vand.u32 $0xFFFF, v14  }
0x36: {  	v16 =	vadd.s32 v15, v16  }
0x37: {  	v17 =	vsub.s32 s14, v13;
	v14 =	vshrl.u32 v14, $0x10;
	vm10 =	vlt.s32 v16, $0x5E  }
0x38: {  	v17 =	vadd.s32 v14, v17;
	v16 =	vnsel vm10, $0x5E, v16  }
0x39: {  	vm11 =	vlt.s32 v17, $0x5E;
	v16 =	vmul.u32 v12, v16;
	v12 =	vxor.u32 $0x1, v12  }
0x3a: {  	v18 =	vxor.u32 $0x1, v13;
	v17 =	vnsel vm11, $0x5E, v17;
	v12 =	vmul.u32 $0x5F, v12  }
0x3b: {  	v27 =	vmul.u32 $0x5F, v18;
	v13 =	vmul.u32 v13, v17  }
0x3c: {  	v12 =	vadd.s32 v12, v16  }
0x3d: {  	v13 =	vadd.s32 v27, v13;
	_ =	sdelay $0x1  }
0x3e: {  	s16 =	sadd.s32 $0xFFFFFF90, s12  }
0x3f: {  	v28 =	vor.u32 s16, v3  }
0x40: {  	[tilespmem:v12+s8+$0x0] =	vst.idx.msk $0xffff, v28  }
0x41: {  	[tilespmem:v13+s9+$0x0] =	vst.idx.msk $0xffff, v28  }
0x42: {  	v12 =	vld [tilespmem:s13+$0xFFFFFFD0];
	_ =	sdelay $0x4  }
0x43: {  	v29 =	vsub.s32 v12, v1  }
0x44: {  	v12 =	vsub.s32 v12, v0;
	v30 =	vsub.s32 $0x0, v29  }
0x45: {  	v31 =	vsub.s32 $0x0, v12;
	v13 =	vmin.u32 v29, v30  }
0x46: {  	v12 =	vmin.u32 v12, v31;
	v13 =	vsub.s32 $0x1, v13  }
0x47: {  	v12 =	vsub.s32 $0x1, v12;
	vm12 =	vgt.s32 v13, $0x0  }
0x48: {  	vm13 =	vgt.s32 v12, $0x0;
	v13 =	vnsel vm12, $0x0, v13  }
0x49: {  	v12 =	vnsel vm13, $0x0, v12;
	v32 =	vshll.u32 v13, $0x10  }
0x4a: {  	(v2sf) =	vpush v15, $0xF;
	v33 =	vadd.s32 v12, v32  }
0x4b: {  	v16 =	vperm.xlane v33, v4  }
0x4c: {  	(v2sf) =	vpush v14, $0xF  }
0x4d: {  	v34 =	vand.u32 v5, v16  }
0x4e: {  	v14 =	vadd.s32 v34, v33  }
0x4f: {  	v15 =	vperm.xlane v14, v6;
	_ =	sdelay $0x1  }
0x50: {  	v15 =	vand.u32 v7, v15  }
0x51: {  	v14 =	vadd.s32 v15, v14  }
0x52: {  	v15 =	vperm.xlane v14, v9;
	_ =	sdelay $0x1  }
0x53: {  	v15 =	vand.u32 v10, v15  }
0x54: {  	v14 =	vadd.s32 v15, v14  }
0x55: {  	v15 =	vperm.xlane v14, v8;
	_ =	sdelay $0x1  }
0x56: {  	s21 =	spop (v2sf);
	v15 =	vand.u32 v11, v15  }
0x57: {  	s22 =	sadd.s32 s15, s21;
	v14 =	vadd.s32 v15, v14  }
0x58: {  	s23 =	spop (v2sf);
	v35 =	vsub.s32 s22, v12;
	v15 =	vand.u32 $0xFFFF, v14  }
0x59: {  	s24 =	sadd.s32 s14, s23;
	v16 =	vadd.s32 v15, v35  }
0x5a: {  	v36 =	vsub.s32 s24, v13;
	v14 =	vshrl.u32 v14, $0x10;
	vm14 =	vlt.s32 v16, $0x5E  }
0x5b: {  	v17 =	vadd.s32 v14, v36;
	v16 =	vnsel vm14, $0x5E, v16  }
0x5c: {  	vm15 =	vlt.s32 v17, $0x5E;
	v16 =	vmul.u32 v12, v16;
	v12 =	vxor.u32 $0x1, v12  }
0x5d: {  	v37 =	vxor.u32 $0x1, v13;
	v17 =	vnsel vm15, $0x5E, v17;
	v12 =	vmul.u32 $0x5F, v12  }
0x5e: {  	v38 =	vmul.u32 $0x5F, v37;
	v13 =	vmul.u32 v13, v17  }
0x5f: {  	v12 =	vadd.s32 v12, v16  }
0x60: {  	v13 =	vadd.s32 v38, v13;
	_ =	sdelay $0x1  }
0x61: {  	s25 =	sadd.s32 $0xFFFFFFA0, s12  }
0x62: {  	v39 =	vor.u32 s25, v3  }
0x63: {  	[tilespmem:v12+s8+$0x0] =	vst.idx.msk $0xffff, v39  }
0x64: {  	[tilespmem:v13+s9+$0x0] =	vst.idx.msk $0xffff, v39  }
0x65: {  	v12 =	vld [tilespmem:s13+$0xFFFFFFE0];
	_ =	sdelay $0x4  }
0x66: {  	v40 =	vsub.s32 v12, v1  }
0x67: {  	v12 =	vsub.s32 v12, v0;
	v41 =	vsub.s32 $0x0, v40  }
0x68: {  	v42 =	vsub.s32 $0x0, v12;
	v13 =	vmin.u32 v40, v41  }
0x69: {  	v12 =	vmin.u32 v12, v42;
	v13 =	vsub.s32 $0x1, v13  }
0x6a: {  	v12 =	vsub.s32 $0x1, v12;
	vm4 =	vgt.s32 v13, $0x0  }
0x6b: {  	vm5 =	vgt.s32 v12, $0x0;
	v13 =	vnsel vm4, $0x0, v13  }
0x6c: {  	v12 =	vnsel vm5, $0x0, v12;
	v43 =	vshll.u32 v13, $0x10  }
0x6d: {  	(v2sf) =	vpush v15, $0xF;
	v44 =	vadd.s32 v12, v43  }
0x6e: {  	v16 =	vperm.xlane v44, v4  }
0x6f: {  	(v2sf) =	vpush v14, $0xF  }
0x70: {  	v45 =	vand.u32 v5, v16  }
0x71: {  	v14 =	vadd.s32 v45, v44  }
0x72: {  	v15 =	vperm.xlane v14, v6;
	_ =	sdelay $0x1  }
0x73: {  	v15 =	vand.u32 v7, v15  }
0x74: {  	v14 =	vadd.s32 v15, v14  }
0x75: {  	v15 =	vperm.xlane v14, v9;
	_ =	sdelay $0x1  }
0x76: {  	v15 =	vand.u32 v10, v15  }
0x77: {  	v14 =	vadd.s32 v15, v14  }
0x78: {  	v15 =	vperm.xlane v14, v8;
	_ =	sdelay $0x1  }
0x79: {  	s26 =	spop (v2sf);
	v15 =	vand.u32 v11, v15  }
0x7a: {  	s15 =	sadd.s32 s22, s26;
	v14 =	vadd.s32 v15, v14  }
0x7b: {  	s28 =	spop (v2sf);
	v46 =	vsub.s32 s15, v12;
	v15 =	vand.u32 $0xFFFF, v14  }
0x7c: {  	s14 =	sadd.s32 s24, s28;
	v16 =	vadd.s32 v15, v46  }
0x7d: {  	v47 =	vsub.s32 s14, v13;
	v14 =	vshrl.u32 v14, $0x10;
	vm6 =	vlt.s32 v16, $0x5E  }
0x7e: {  	v17 =	vadd.s32 v14, v47;
	v16 =	vnsel vm6, $0x5E, v16  }
0x7f: {  	vm7 =	vlt.s32 v17, $0x5E;
	v16 =	vmul.u32 v12, v16;
	v12 =	vxor.u32 $0x1, v12  }
0x80: {  	v48 =	vxor.u32 $0x1, v13;
	v17 =	vnsel vm7, $0x5E, v17;
	v12 =	vmul.u32 $0x5F, v12  }
0x81: {  	v49 =	vmul.u32 $0x5F, v48;
	v13 =	vmul.u32 v13, v17  }
0x82: {  	v12 =	vadd.s32 v12, v16  }
0x83: {  	v13 =	vadd.s32 v49, v13;
	_ =	sdelay $0x1  }
0x84: {  	s29 =	sadd.s32 $0xFFFFFFB0, s12  }
0x85: {  	v50 =	vor.u32 s29, v3  }
0x86: {  	[tilespmem:v12+s8+$0x0] =	vst.idx.msk $0xffff, v50  }
0x87: {  	[tilespmem:v13+s9+$0x0] =	vst.idx.msk $0xffff, v50  }
0x88: {  	v12 =	vld [tilespmem:s13+$0xFFFFFFF0];
	_ =	sdelay $0x4  }
0x89: {  	v51 =	vsub.s32 v12, v1  }
0x8a: {  	v12 =	vsub.s32 v12, v0;
	v52 =	vsub.s32 $0x0, v51  }
0x8b: {  	v53 =	vsub.s32 $0x0, v12;
	v13 =	vmin.u32 v51, v52  }
0x8c: {  	v12 =	vmin.u32 v12, v53;
	v13 =	vsub.s32 $0x1, v13  }
0x8d: {  	v12 =	vsub.s32 $0x1, v12;
	vm8 =	vgt.s32 v13, $0x0  }
0x8e: {  	vm9 =	vgt.s32 v12, $0x0;
	v13 =	vnsel vm8, $0x0, v13  }
0x8f: {  	v12 =	vnsel vm9, $0x0, v12;
	v54 =	vshll.u32 v13, $0x10  }
0x90: {  	(v2sf) =	vpush v15, $0xF;
	v55 =	vadd.s32 v12, v54  }
0x91: {  	v16 =	vperm.xlane v55, v4  }
0x92: {  	(v2sf) =	vpush v14, $0xF  }
0x93: {  	v56 =	vand.u32 v5, v16  }
0x94: {  	v14 =	vadd.s32 v56, v55  }
0x95: {  	v15 =	vperm.xlane v14, v6;
	_ =	sdelay $0x1  }
0x96: {  	v15 =	vand.u32 v7, v15  }
0x97: {  	v14 =	vadd.s32 v15, v14  }
0x98: {  	v15 =	vperm.xlane v14, v9;
	_ =	sdelay $0x1  }
0x99: {  	v15 =	vand.u32 v10, v15  }
0x9a: {  	v14 =	vadd.s32 v15, v14  }
0x9b: {  	v15 =	vperm.xlane v14, v8;
	_ =	sdelay $0x1  }
0x9c: {  	s30 =	spop (v2sf);
	v15 =	vand.u32 v11, v15  }
0x9d: {  	s15 =	sadd.s32 s15, s30;
	v14 =	vadd.s32 v15, v14  }
0x9e: {  	s31 =	spop (v2sf);
	v57 =	vsub.s32 s15, v12;
	v15 =	vand.u32 $0xFFFF, v14  }
0x9f: {  	s14 =	sadd.s32 s14, s31;
	v16 =	vadd.s32 v15, v57  }
0xa0: {  	v58 =	vsub.s32 s14, v13;
	v14 =	vshrl.u32 v14, $0x10;
	vm10 =	vlt.s32 v16, $0x5E  }
0xa1: {  	v17 =	vadd.s32 v14, v58;
	v16 =	vnsel vm10, $0x5E, v16  }
0xa2: {  	vm11 =	vlt.s32 v17, $0x5E;
	v16 =	vmul.u32 v12, v16;
	v12 =	vxor.u32 $0x1, v12  }
0xa3: {  	v59 =	vxor.u32 $0x1, v13;
	v17 =	vnsel vm11, $0x5E, v17;
	v12 =	vmul.u32 $0x5F, v12  }
0xa4: {  	v60 =	vmul.u32 $0x5F, v59;
	v13 =	vmul.u32 v13, v17  }
0xa5: {  	v12 =	vadd.s32 v12, v16  }
0xa6: {  	v13 =	vadd.s32 v60, v13;
	_ =	sdelay $0x1  }
0xa7: {  	s17 =	sadd.s32 $0xFFFFFFC0, s12  }
0xa8: {  	v61 =	vor.u32 s17, v3  }
0xa9: {  	[tilespmem:v12+s8+$0x0] =	vst.idx.msk $0xffff, v61  }
0xaa: {  	[tilespmem:v13+s9+$0x0] =	vst.idx.msk $0xffff, v61  }
0xab: {  	v12 =	vld [tilespmem:s13+$0x0];
	_ =	sdelay $0x4  }
0xac: {  	v62 =	vsub.s32 v12, v1  }
0xad: {  	v12 =	vsub.s32 v12, v0;
	v63 =	vsub.s32 $0x0, v62  }
0xae: {  	v20 =	vsub.s32 $0x0, v12;
	v13 =	vmin.u32 v62, v63  }
0xaf: {  	v12 =	vmin.u32 v12, v20;
	v13 =	vsub.s32 $0x1, v13  }
0xb0: {  	v12 =	vsub.s32 $0x1, v12;
	vm12 =	vgt.s32 v13, $0x0  }
0xb1: {  	vm13 =	vgt.s32 v12, $0x0;
	v13 =	vnsel vm12, $0x0, v13  }
0xb2: {  	v12 =	vnsel vm13, $0x0, v12;
	v21 =	vshll.u32 v13, $0x10  }
0xb3: {  	(v2sf) =	vpush v15, $0xF;
	v22 =	vadd.s32 v12, v21  }
0xb4: {  	v16 =	vperm.xlane v22, v4  }
0xb5: {  	(v2sf) =	vpush v14, $0xF  }
0xb6: {  	v23 =	vand.u32 v5, v16  }
0xb7: {  	v14 =	vadd.s32 v23, v22  }
0xb8: {  	v15 =	vperm.xlane v14, v6;
	_ =	sdelay $0x1  }
0xb9: {  	v15 =	vand.u32 v7, v15  }
0xba: {  	v14 =	vadd.s32 v15, v14  }
0xbb: {  	v15 =	vperm.xlane v14, v9;
	_ =	sdelay $0x1  }
0xbc: {  	v15 =	vand.u32 v10, v15  }
0xbd: {  	v14 =	vadd.s32 v15, v14  }
0xbe: {  	v15 =	vperm.xlane v14, v8;
	_ =	sdelay $0x1  }
0xbf: {  	s18 =	spop (v2sf);
	v15 =	vand.u32 v11, v15  }
0xc0: {  	s15 =	sadd.s32 s15, s18;
	v14 =	vadd.s32 v15, v14  }
0xc1: {  	s19 =	spop (v2sf);
	v24 =	vsub.s32 s15, v12;
	v15 =	vand.u32 $0xFFFF, v14  }
0xc2: {  	s14 =	sadd.s32 s14, s19;
	v16 =	vadd.s32 v15, v24  }
0xc3: {  	v25 =	vsub.s32 s14, v13;
	v14 =	vshrl.u32 v14, $0x10;
	vm14 =	vlt.s32 v16, $0x5E  }
0xc4: {  	v17 =	vadd.s32 v14, v25;
	v16 =	vnsel vm14, $0x5E, v16  }
0xc5: {  	vm15 =	vlt.s32 v17, $0x5E;
	v16 =	vmul.u32 v12, v16;
	v12 =	vxor.u32 $0x1, v12  }
0xc6: {  	v26 =	vxor.u32 $0x1, v13;
	v17 =	vnsel vm15, $0x5E, v17;
	v12 =	vmul.u32 $0x5F, v12  }
0xc7: {  	v27 =	vmul.u32 $0x5F, v26;
	v13 =	vmul.u32 v13, v17  }
0xc8: {  	v12 =	vadd.s32 v12, v16  }
0xc9: {  	v13 =	vadd.s32 v27, v13;
	_ =	sdelay $0x1  }
0xca: {  	s20 =	sadd.s32 $0xFFFFFFD0, s12  }
0xcb: {  	v28 =	vor.u32 s20, v3  }
0xcc: {  	[tilespmem:v12+s8+$0x0] =	vst.idx.msk $0xffff, v28  }
0xcd: {  	[tilespmem:v13+s9+$0x0] =	vst.idx.msk $0xffff, v28  }
0xce: {  	v12 =	vld [tilespmem:s13+$0x10];
	_ =	sdelay $0x4  }
0xcf: {  	v29 =	vsub.s32 v12, v1  }
0xd0: {  	v12 =	vsub.s32 v12, v0;
	v30 =	vsub.s32 $0x0, v29  }
0xd1: {  	v31 =	vsub.s32 $0x0, v12;
	v13 =	vmin.u32 v29, v30  }
0xd2: {  	v12 =	vmin.u32 v12, v31;
	v13 =	vsub.s32 $0x1, v13  }
0xd3: {  	v12 =	vsub.s32 $0x1, v12;
	vm4 =	vgt.s32 v13, $0x0  }
0xd4: {  	vm5 =	vgt.s32 v12, $0x0;
	v13 =	vnsel vm4, $0x0, v13  }
0xd5: {  	v12 =	vnsel vm5, $0x0, v12;
	v32 =	vshll.u32 v13, $0x10  }
0xd6: {  	(v2sf) =	vpush v15, $0xF;
	v33 =	vadd.s32 v12, v32  }
0xd7: {  	v16 =	vperm.xlane v33, v4  }
0xd8: {  	(v2sf) =	vpush v14, $0xF  }
0xd9: {  	v34 =	vand.u32 v5, v16  }
0xda: {  	v14 =	vadd.s32 v34, v33  }
0xdb: {  	v15 =	vperm.xlane v14, v6;
	_ =	sdelay $0x1  }
0xdc: {  	v15 =	vand.u32 v7, v15  }
0xdd: {  	v14 =	vadd.s32 v15, v14  }
0xde: {  	v15 =	vperm.xlane v14, v9;
	_ =	sdelay $0x1  }
0xdf: {  	v15 =	vand.u32 v10, v15  }
0xe0: {  	v14 =	vadd.s32 v15, v14  }
0xe1: {  	v15 =	vperm.xlane v14, v8;
	_ =	sdelay $0x1  }
0xe2: {  	s21 =	spop (v2sf);
	v15 =	vand.u32 v11, v15  }
0xe3: {  	s15 =	sadd.s32 s15, s21;
	v14 =	vadd.s32 v15, v14  }
0xe4: {  	s22 =	spop (v2sf);
	v35 =	vsub.s32 s15, v12;
	v15 =	vand.u32 $0xFFFF, v14  }
0xe5: {  	s14 =	sadd.s32 s14, s22;
	v16 =	vadd.s32 v15, v35  }
0xe6: {  	v36 =	vsub.s32 s14, v13;
	v14 =	vshrl.u32 v14, $0x10;
	vm6 =	vlt.s32 v16, $0x5E  }
0xe7: {  	v17 =	vadd.s32 v14, v36;
	v16 =	vnsel vm6, $0x5E, v16  }
0xe8: {  	vm7 =	vlt.s32 v17, $0x5E;
	v16 =	vmul.u32 v12, v16;
	v12 =	vxor.u32 $0x1, v12  }
0xe9: {  	v37 =	vxor.u32 $0x1, v13;
	v17 =	vnsel vm7, $0x5E, v17;
	v12 =	vmul.u32 $0x5F, v12  }
0xea: {  	v38 =	vmul.u32 $0x5F, v37;
	v13 =	vmul.u32 v13, v17  }
0xeb: {  	v12 =	vadd.s32 v12, v16  }
0xec: {  	v13 =	vadd.s32 v38, v13;
	_ =	sdelay $0x1  }
0xed: {  	s23 =	sadd.s32 $0xFFFFFFE0, s12  }
0xee: {  	v39 =	vor.u32 s23, v3  }
0xef: {  	[tilespmem:v12+s8+$0x0] =	vst.idx.msk $0xffff, v39  }
0xf0: {  	[tilespmem:v13+s9+$0x0] =	vst.idx.msk $0xffff, v39  }
0xf1: {  	v12 =	vld [tilespmem:s13+$0x20];
	_ =	sdelay $0x4  }
0xf2: {  	v40 =	vsub.s32 v12, v1  }
0xf3: {  	v12 =	vsub.s32 v12, v0;
	v41 =	vsub.s32 $0x0, v40  }
0xf4: {  	v42 =	vsub.s32 $0x0, v12;
	v13 =	vmin.u32 v40, v41  }
0xf5: {  	v12 =	vmin.u32 v12, v42;
	v13 =	vsub.s32 $0x1, v13  }
0xf6: {  	v12 =	vsub.s32 $0x1, v12;
	vm8 =	vgt.s32 v13, $0x0  }
0xf7: {  	vm9 =	vgt.s32 v12, $0x0;
	v13 =	vnsel vm8, $0x0, v13  }
0xf8: {  	v12 =	vnsel vm9, $0x0, v12;
	v43 =	vshll.u32 v13, $0x10  }
0xf9: {  	(v2sf) =	vpush v15, $0xF;
	v44 =	vadd.s32 v12, v43  }
0xfa: {  	v16 =	vperm.xlane v44, v4  }
0xfb: {  	(v2sf) =	vpush v14, $0xF  }
0xfc: {  	v45 =	vand.u32 v5, v16  }
0xfd: {  	v14 =	vadd.s32 v45, v44  }
0xfe: {  	v15 =	vperm.xlane v14, v6;
	_ =	sdelay $0x1  }
0xff: {  	v15 =	vand.u32 v7, v15  }
0x100: {  	v14 =	vadd.s32 v15, v14  }
0x101: {  	v15 =	vperm.xlane v14, v9;
	_ =	sdelay $0x1  }
0x102: {  	v15 =	vand.u32 v10, v15  }
0x103: {  	v14 =	vadd.s32 v15, v14  }
0x104: {  	v15 =	vperm.xlane v14, v8;
	_ =	sdelay $0x1  }
0x105: {  	s24 =	spop (v2sf);
	v15 =	vand.u32 v11, v15  }
0x106: {  	s15 =	sadd.s32 s15, s24;
	v14 =	vadd.s32 v15, v14  }
0x107: {  	s25 =	spop (v2sf);
	v46 =	vsub.s32 s15, v12;
	v15 =	vand.u32 $0xFFFF, v14  }
0x108: {  	s14 =	sadd.s32 s14, s25;
	v16 =	vadd.s32 v15, v46  }
0x109: {  	v47 =	vsub.s32 s14, v13;
	v14 =	vshrl.u32 v14, $0x10;
	vm10 =	vlt.s32 v16, $0x5E  }
0x10a: {  	v17 =	vadd.s32 v14, v47;
	v16 =	vnsel vm10, $0x5E, v16  }
0x10b: {  	vm11 =	vlt.s32 v17, $0x5E;
	v16 =	vmul.u32 v12, v16;
	v12 =	vxor.u32 $0x1, v12  }
0x10c: {  	v48 =	vxor.u32 $0x1, v13;
	v17 =	vnsel vm11, $0x5E, v17;
	v12 =	vmul.u32 $0x5F, v12  }
0x10d: {  	v49 =	vmul.u32 $0x5F, v48;
	v13 =	vmul.u32 v13, v17  }
0x10e: {  	v12 =	vadd.s32 v12, v16  }
0x10f: {  	v13 =	vadd.s32 v49, v13;
	_ =	sdelay $0x1  }
0x110: {  	s26 =	sadd.s32 $0xFFFFFFF0, s12  }
0x111: {  	v50 =	vor.u32 s26, v3  }
0x112: {  	[tilespmem:v12+s8+$0x0] =	vst.idx.msk $0xffff, v50  }
0x113: {  	[tilespmem:v13+s9+$0x0] =	vst.idx.msk $0xffff, v50  }
0x114: {  	v12 =	vld [tilespmem:s13+$0x30];
	_ =	sdelay $0x4  }
0x115: {  	v51 =	vsub.s32 v12, v1  }
0x116: {  	v12 =	vsub.s32 v12, v0;
	v52 =	vsub.s32 $0x0, v51  }
0x117: {  	v53 =	vsub.s32 $0x0, v12;
	v13 =	vmin.u32 v51, v52  }
0x118: {  	v12 =	vmin.u32 v12, v53;
	v13 =	vsub.s32 $0x1, v13  }
0x119: {  	v12 =	vsub.s32 $0x1, v12;
	vm12 =	vgt.s32 v13, $0x0  }
0x11a: {  	vm13 =	vgt.s32 v12, $0x0;
	v13 =	vnsel vm12, $0x0, v13  }
0x11b: {  	v12 =	vnsel vm13, $0x0, v12;
	v54 =	vshll.u32 v13, $0x10  }
0x11c: {  	v16 =	vadd.s32 v12, v54  }
0x11d: {  	v55 =	vperm.xlane v16, v4;
	_ =	sdelay $0x1  }
0x11e: {  	v17 =	vand.u32 v5, v55  }
0x11f: {  	v16 =	vadd.s32 v17, v16  }
0x120: {  	(v2sf) =	vpush v15, $0xF;
	v56 =	vperm.xlane v16, v6;
	_ =	sdelay $0x1  }
0x121: {  	(v2sf) =	vpush v14, $0xF;
	v57 =	vand.u32 v7, v56  }
0x122: {  	v14 =	vadd.s32 v57, v16  }
0x123: {  	v58 =	vperm.xlane v14, v9;
	_ =	sdelay $0x1  }
0x124: {  	v15 =	vand.u32 v10, v58  }
0x125: {  	v14 =	vadd.s32 v15, v14  }
0x126: {  	v15 =	vperm.xlane v14, v8;
	_ =	sdelay $0x1  }
0x127: {  	v15 =	vand.u32 v11, v15  }
0x128: {  	v14 =	vadd.s32 v15, v14  }
0x129: {  	v15 =	vand.u32 $0xFFFF, v14  }
0x12a: {  	v14 =	vshrl.u32 v14, $0x10;
	(v2sf) =	vpush v15, $0xF  }
0x12b: {  	(v2sf) =	vpush v14, $0xF  }
0x12c: {  	s28 =	spop (v2sf)  }
0x12d: {  	s15 =	sadd.s32 s15, s28  }
0x12e: {  	s29 =	spop (v2sf);
	v59 =	vsub.s32 s15, v12  }
0x12f: {  	s14 =	sadd.s32 s14, s29;
	v15 =	vadd.s32 v15, v59  }
0x130: {  	v60 =	vsub.s32 s14, v13;
	vm14 =	vlt.s32 v15, $0x5E  }
0x131: {  	v14 =	vadd.s32 v14, v60;
	v15 =	vnsel vm14, $0x5E, v15  }
0x132: {  	vm15 =	vlt.s32 v14, $0x5E;
	v15 =	vmul.u32 v12, v15;
	v12 =	vxor.u32 $0x1, v12  }
0x133: {  	v61 =	vxor.u32 $0x1, v13;
	v14 =	vnsel vm15, $0x5E, v14;
	v12 =	vmul.u32 $0x5F, v12  }
0x134: {  	v62 =	vmul.u32 $0x5F, v61;
	v13 =	vmul.u32 v13, v14  }
0x135: {  	s11 =	sadd.s32 $0x8, s11;
	v12 =	vadd.s32 v12, v15  }
0x136: {  	p0 =	slt.u32 s11, $0xF8;
	v13 =	vadd.s32 v62, v13  }
.Ltmp0:
0x137: {  	_ = 	snop;
	(pc) =	sbr.rel @p0 .LBB2_2-.Ltmp0, $4  }
0x138: {  	_ = 	snop  }
0x139: {  	v63 =	vor.u32 s12, v3;
	s30 =	spop (v2sf)  }
0x13a: {  	s12 =	sadd.s32 $0x80, s12;
	[tilespmem:v12+s8+$0x0] =	vst.idx.msk $0xffff, v63;
	s31 =	spop (v2sf)  }
0x13b: {  	s13 =	sadd.s32 $0x80, s13;
	[tilespmem:v13+s9+$0x0] =	vst.idx.msk $0xffff, v63;
	s15 =	sadd.s32 s15, s30;
	s14 =	sadd.s32 s14, s31  }
0x13c: {  	[hbm4b:s4+s3] =	stream.linear.scatter [tilespmem:s8], [sflag:$0x1], $0x40, $0x38;
	[tilespmem:$0x1100] =	vst v63  }
0x13d: {  	s10 =	sadd.s32 $0x1, s10;
	_ =	swait.ge [sflag:s7], $0x40  }
0x13e: {  	p0 =	sne.s32 s10, s6;
	[sflag:s7] =	ssyncset.done $0x0  }
.Ltmp1:
0x13f: {  	[sflag:s7] =	ssyncadd.s32 $0xFFFFFFC0;
	(pc) =	sbr.rel @p0 .LBB2_1-.Ltmp1, $4  }
0x140: {  	[hbm4b:s5+s3] =	stream.linear.scatter [tilespmem:s9], [sflag:$0x1], $0x40, $0x38;
	[tilespmem:$0x1100] =	vst v63  }
0x141: {  	_ =	swait.ge [sflag:s7], $0x40  }
0x142: {  	[sflag:s7] =	ssyncset.done $0x0  }
0x143: {  	[sflag:s7] =	ssyncadd.s32 $0xFFFFFFC0  }
0x144: {  	_ =	sfence.sel $0x180000  }
0x145: {  	[bflag:$0x0] =	sbarrier.arrive $0xFFFF  }
0x146: {  	p0 =	sne.s32 s0, $0x0;
	_ =	strace $0x90000047  }
0x147: {  	s0 =	sadd.s32 @!p0 $0x100000, s2;
	[bflag:$0x2] =	sbarrier.arrive $0xFFFF  }
0x148: {  	[sflag:s0] =	ssyncadd.tile.s32 @!p0 $0x1;
	_ =	shalt  }
.Lfunc_end2:
_tile_overlayer_lowered:
.L_overlay_start_2:
0x149: {  	(tag) =	ssettag $0x2  }
0x14a: {  	s0 =	rddreg [dreg:$0x0];
	s2 =	stileid.u32  }
0x14b: {  	s1 =	rddreg [dreg:$0x1];
	p0 =	sne.s32 s2, $0x0  }
0x14c: {  	s3 =	rddreg [dreg:$0x2];
	[bflag:$0x3] =	sbarrier.arrive $0xFFFF;
	s2 =	simm.s32 @!p0 $0x1C01  }
0x14d: {  	[timem:s3], [sflag:s2] =	dma.local @!p0 [hbm:s0], s1  }
0x14e: {  	s0 =	simm.s32 @!p0 $0x1  }
0x14f: {  	_ =	swait.ge @!p0 [sflag:s0], s1  }
0x150: {  	s1 =	ssub.s32 @!p0 $0x0, s1;
	[sflag:s0] =	ssyncset.done @!p0 $0x0  }
0x151: {  	[sflag:s0] =	ssyncadd.s32 @!p0 s1  }
0x152: {  	[bflag:$0x3] =	sbarrier.arrive $0xFFFF  }
0x153: {  	_ =	shalt  }

</sc_bundles>
